<compile_context>
chip_gen: v7x
topology: tpu7x:2x2x1
jax: 0.10.2.dev20260603
libtpu: 0.0.44.dev20260713+nightly
codegen_flags: <defaults>
</compile_context>

<pallas_src>
import jax
import jax.numpy as jnp
from jax import lax
from jax.experimental import pallas as pl
from jax.experimental.pallas import tpu as pltpu
from jax.experimental.pallas import tpu_sc as plsc

_N = 10000
_E = 320000
_D = 128
_H = 16
_C = 7

_NC = 2
_NS = 16
_NW = _NC * _NS
_CB = 128
_KC = 80
_EPT = _KC * _CB
_EPAD = _NW * _EPT
_NTRASH = 512
_RPT = _N // _NS

_SLAG = 8
_ACCN = _N + _NTRASH

_mesh = plsc.VectorSubcoreMesh(core_axis_name="c", subcore_axis_name="s")


def _zero_rows(buf, nrows):
    def body(i, _):
        buf[i] = jnp.zeros((16,), jnp.float32)
        return 0
    lax.fori_loop(0, nrows, body, 0)


def _acc_prologue(sid, dump_v, acc_sh):
    _zero_rows(dump_v, _RPT)
    pltpu.sync_copy(dump_v, acc_sh.at[pl.ds(sid * _RPT, _RPT)])
    plsc.subcore_barrier()


def _acc_epilogue(cid, sid, dump_v, acc_sh, out):
    plsc.subcore_barrier()
    pltpu.sync_copy(acc_sh.at[pl.ds(sid * _RPT, _RPT)], dump_v)
    pltpu.sync_copy(dump_v, out.at[cid, sid])


def _sc_deg_body(dst_h, out, dst_v, rows_v, dump_v, acc_sh, ssem):
    cid = lax.axis_index("c")
    sid = lax.axis_index("s")
    wid = sid * _NC + cid
    _acc_prologue(sid, dump_v, acc_sh)
    pltpu.sync_copy(dst_h.at[wid], dst_v)

    def fill(i, _):
        rows_v[i] = jnp.ones((16,), jnp.float32)
        return 0
    lax.fori_loop(0, _CB, fill, 0)

    def body(j, _):
        pltpu.async_copy(rows_v, acc_sh.at[dst_v.at[j]], ssem, add=True)

        @pl.when(j >= _SLAG)
        def _wait_old():
            pltpu.make_async_copy(out.at[0, 0, pl.ds(0, _CB)], rows_v,
                                  ssem).wait()
        return 0
    lax.fori_loop(0, _KC, body, 0)

    def drain(j, _):
        pltpu.make_async_copy(out.at[0, 0, pl.ds(0, _CB)], rows_v,
                              ssem).wait()
        return 0
    lax.fori_loop(0, _SLAG, drain, 0)
    _acc_epilogue(cid, sid, dump_v, acc_sh, out)


_NB = 16


def _sc_gs_body(table, src_h, dst_h, out, src_v, dst_v, rows_v, dump_v,
                acc_sh, gsem, ssem):
    cid = lax.axis_index("c")
    sid = lax.axis_index("s")
    wid = sid * _NC + cid
    _acc_prologue(sid, dump_v, acc_sh)
    pltpu.sync_copy(src_h.at[wid], src_v)
    pltpu.sync_copy(dst_h.at[wid], dst_v)

    for b in range(_NB - 2):
        pltpu.async_copy(table.at[src_v.at[b]], rows_v.at[b], gsem)

    def body(j, _):
        b = lax.rem(j, _NB)
        pltpu.make_async_copy(table.at[pl.ds(0, _CB)], rows_v.at[b],
                              gsem).wait()
        pltpu.async_copy(rows_v.at[b], acc_sh.at[dst_v.at[j]], ssem,
                         add=True)

        @pl.when(j >= 2)
        def _wait_prev_scatter():
            pltpu.make_async_copy(table.at[pl.ds(0, _CB)], rows_v.at[0],
                                  ssem).wait()

        nj = j + _NB - 2

        @pl.when(nj < _KC)
        def _prefetch():
            pltpu.async_copy(table.at[src_v.at[nj]],
                             rows_v.at[lax.rem(nj, _NB)], gsem)
        return 0
    lax.fori_loop(0, _KC, body, 0)
    pltpu.make_async_copy(table.at[pl.ds(0, _CB)], rows_v.at[0], ssem).wait()
    pltpu.make_async_copy(table.at[pl.ds(0, _CB)], rows_v.at[0], ssem).wait()
    _acc_epilogue(cid, sid, dump_v, acc_sh, out)


_sc_deg = pl.kernel(
    _sc_deg_body,
    out_type=jax.ShapeDtypeStruct((_NC, _NS, _RPT, 16), jnp.float32),
    mesh=_mesh,
    compiler_params=pltpu.CompilerParams(use_tc_tiling_on_sc=False),
    scratch_types=[
        pltpu.VMEM((_KC, _CB), jnp.int32),
        pltpu.VMEM((_CB, 16), jnp.float32),
        pltpu.VMEM((_RPT, 16), jnp.float32),
        pltpu.VMEM_SHARED((_ACCN, 16), jnp.float32),
        pltpu.SemaphoreType.DMA,
    ],
)

_sc_gs = pl.kernel(
    _sc_gs_body,
    out_type=jax.ShapeDtypeStruct((_NC, _NS, _RPT, 16), jnp.float32),
    mesh=_mesh,
    compiler_params=pltpu.CompilerParams(use_tc_tiling_on_sc=False),
    scratch_types=[
        pltpu.VMEM((_KC, _CB), jnp.int32),
        pltpu.VMEM((_KC, _CB), jnp.int32),
        pltpu.VMEM((_NB, _CB, 16), jnp.float32),
        pltpu.VMEM((_RPT, 16), jnp.float32),
        pltpu.VMEM_SHARED((_ACCN, 16), jnp.float32),
        pltpu.SemaphoreType.DMA,
        pltpu.SemaphoreType.DMA,
    ],
)



_RB = 1000
_GRID = _N // _RB


def _tc_prep_body(x_ref, w1_ref, degp_ref, dinv_ref, xws_ref):
    deg = degp_ref[0, :, 0:1] + degp_ref[1, :, 0:1] + 1.0
    dinv = lax.rsqrt(deg)
    xw = jnp.dot(x_ref[...], w1_ref[...], preferred_element_type=jnp.float32)
    dinv_ref[...] = dinv
    xws_ref[...] = xw * dinv


_tc_prep = pl.pallas_call(
    _tc_prep_body,
    grid=(_GRID,),
    in_specs=[
        pl.BlockSpec((_RB, _D), lambda i: (i, 0)),
        pl.BlockSpec((_D, _H), lambda i: (0, 0)),
        pl.BlockSpec((_NC, _RB, 16), lambda i: (0, i, 0)),
    ],
    out_specs=[
        pl.BlockSpec((_RB, 1), lambda i: (i, 0)),
        pl.BlockSpec((_RB, _H), lambda i: (i, 0)),
    ],
    out_shape=[
        jax.ShapeDtypeStruct((_N, 1), jnp.float32),
        jax.ShapeDtypeStruct((_N, _H), jnp.float32),
    ],
)


def _tc_layer_body(p_ref, dinv_ref, xws_ref, b1_ref, w2_ref, h_ref, hws_ref):
    dinv = dinv_ref[...]
    s = (p_ref[0] + p_ref[1] + xws_ref[...]) * dinv
    h = jnp.maximum(s + b1_ref[...], 0.0)
    h_ref[...] = h
    hws_ref[...] = jnp.dot(h, w2_ref[...],
                           preferred_element_type=jnp.float32) * dinv


_tc_layer = pl.pallas_call(
    _tc_layer_body,
    grid=(_GRID,),
    in_specs=[
        pl.BlockSpec((_NC, _RB, 16), lambda i: (0, i, 0)),
        pl.BlockSpec((_RB, 1), lambda i: (i, 0)),
        pl.BlockSpec((_RB, _H), lambda i: (i, 0)),
        pl.BlockSpec((1, _H), lambda i: (0, 0)),
        pl.BlockSpec((_H, 16), lambda i: (0, 0)),
    ],
    out_specs=[
        pl.BlockSpec((_RB, _H), lambda i: (i, 0)),
        pl.BlockSpec((_RB, 16), lambda i: (i, 0)),
    ],
    out_shape=[
        jax.ShapeDtypeStruct((_N, _H), jnp.float32),
        jax.ShapeDtypeStruct((_N, 16), jnp.float32),
    ],
)


def _tc_final_body(q_ref, dinv_ref, hws_ref, b2_ref, z_ref):
    z_ref[...] = ((q_ref[0] + q_ref[1] + hws_ref[...]) * dinv_ref[...]
                  + b2_ref[...])


_tc_final = pl.pallas_call(
    _tc_final_body,
    grid=(_GRID,),
    in_specs=[
        pl.BlockSpec((_NC, _RB, 16), lambda i: (0, i, 0)),
        pl.BlockSpec((_RB, 1), lambda i: (i, 0)),
        pl.BlockSpec((_RB, 16), lambda i: (i, 0)),
        pl.BlockSpec((1, 16), lambda i: (0, 0)),
    ],
    out_specs=pl.BlockSpec((_RB, 16), lambda i: (i, 0)),
    out_shape=jax.ShapeDtypeStruct((_N, 16), jnp.float32),
)


def kernel(x, edge_index, W1, b1, W2, b2):
    ei = edge_index.astype(jnp.int32)
    npad = _EPAD - _E
    pad_src = jnp.arange(npad, dtype=jnp.int32) % _N
    src3 = jnp.concatenate([ei[0], pad_src]).reshape(_NW, _KC, _CB)
    pad_dst = _N + (jnp.arange(npad, dtype=jnp.int32) % _NTRASH)
    dst3 = jnp.concatenate([ei[1], pad_dst]).reshape(_NW, _KC, _CB)

    b1r = b1.reshape(1, _H)
    W2p = jnp.zeros((_H, 16), jnp.float32).at[:, :_C].set(W2)
    b2p = jnp.zeros((1, 16), jnp.float32).at[0, :_C].set(b2)

    degp = _sc_deg(dst3).reshape(_NC, _N, 16)
    dinv, xws = _tc_prep(x, W1, degp)
    p = _sc_gs(xws, src3, dst3).reshape(_NC, _N, 16)
    h, hws = _tc_layer(p, dinv, xws, b1r, W2p)
    q = _sc_gs(hws, src3, dst3).reshape(_NC, _N, 16)
    z = _tc_final(q, dinv, hws, b2p)[:, :_C]
    return (h, z)

# --- scband reference (transcript-rebuilt; emitter-appended) ---
"""Pipeline reference for scband-gcn-54262616818360 (READ-ONLY COPY).

The authoritative reference and input builder live on the scoring server;
editing this copy changes nothing except your own understanding.
"""

import jax, jax.numpy as jnp
import numpy as np

N = 10000
E = 320000
D = 128
H = 16
C = 7

def setup_inputs(seed: int = 0) -> dict:
    key = jax.random.key(seed)
    ks = jax.random.split(key, 6)
    x = jax.random.normal(ks[0], (N, D), dtype=jnp.float32)
    edge_index = jax.random.randint(ks[1], (2, E), 0, N)
    W1 = jax.random.normal(ks[2], (D, H), dtype=jnp.float32) * (1.0 / np.sqrt(D))
    b1 = jnp.zeros((H,), dtype=jnp.float32)
    W2 = jax.random.normal(ks[3], (H, C), dtype=jnp.float32) * (1.0 / np.sqrt(H))
    b2 = jnp.zeros((C,), dtype=jnp.float32)
    return {"x": x, "edge_index": edge_index, "W1": W1, "b1": b1, "W2": W2, "b2": b2}


def _gcn_conv(x, W, b, src, dst, num_nodes):
    # PyG GCNConv: x @ W, symmetric normalization with self-loops, scatter-add, + bias
    xw = x @ W
    ones = jnp.ones(src.shape[0], dtype=x.dtype)
    deg = jax.ops.segment_sum(ones, dst, num_segments=num_nodes)
    dinv = jnp.where(deg > 0, jax.lax.rsqrt(deg), 0.0)
    norm = dinv[src] * dinv[dst]
    msgs = xw[src] * norm[:, None]
    out = jax.ops.segment_sum(msgs, dst, num_segments=num_nodes)
    return out + b


def reference(x, edge_index, W1, b1, W2, b2):
    num_nodes = x.shape[0]
    loop = jnp.arange(num_nodes, dtype=edge_index.dtype)
    src = jnp.concatenate([edge_index[0], loop])
    dst = jnp.concatenate([edge_index[1], loop])
    h = jax.nn.relu(_gcn_conv(x, W1, b1, src, dst, num_nodes))
    z = _gcn_conv(h, W2, b2, src, dst, num_nodes)
    return (h, z)

if __name__ == "__main__":
    import jax
    _d = setup_inputs()
    print(jax.jit(kernel)(*tuple(_d.values())))

</pallas_src>

<mosaic_0001>
#map = affine_map<(d0, d1) -> (0, 0)>
#map1 = affine_map<(d0, d1) -> (0, 0, 0)>
#map2 = affine_map<(d0, d1) -> (0, 0, 0, 0)>
module attributes {stable_mosaic.version = 14 : i64} {
  func.func @_sc_gs_body(%arg0: i32, %arg1: i32, %arg2: memref<10000x16xf32, #tpu.memory_space<hbm>>, %arg3: memref<32x80x128xi32, #tpu.memory_space<hbm>>, %arg4: memref<32x80x128xi32, #tpu.memory_space<hbm>>, %arg5: memref<2x16x625x16xf32, #tpu.memory_space<hbm>>, %arg6: memref<80x128xi32, #tpu.memory_space<vmem>>, %arg7: memref<80x128xi32, #tpu.memory_space<vmem>>, %arg8: memref<16x128x16xf32, #tpu.memory_space<vmem>>, %arg9: memref<625x16xf32, #tpu.memory_space<vmem>>, %arg10: memref<10512x16xf32, #tpu.memory_space<vmem_shared>>, %arg11: memref<!tpu.dma_semaphore, #tpu.memory_space<semaphore_mem>>, %arg12: memref<!tpu.dma_semaphore, #tpu.memory_space<semaphore_mem>>) attributes {dimension_semantics = [#tpu.dimension_semantics<core_parallel>, #tpu.dimension_semantics<subcore_parallel>], iteration_bounds = array<i64: 2, 16>, scalar_prefetch = 0 : i64, scratch_operands = 7 : i64, tpu.core_type = #tpu.core_type<sc_vector_subcore>, window_params = [{transform_indices = #map}, {transform_indices = #map1}, {transform_indices = #map1}, {transform_indices = #map2}]} {
    %mul3A = arith.constant 2 : i32
    %mul3A_0 = arith.muli %arg1, %mul3A : i32
    %add3A = arith.addi %mul3A_0, %arg0 : i32
    %scan3A = arith.constant 0 : i32
    %scan3A_1 = arith.constant 0 : i32
    %scan3A_2 = arith.constant 625 : i32
    %scan3A_3 = arith.addi %scan3A_1, %scan3A_2 : i32
    %scan3A_4 = arith.constant 1 : i32
    %scan3A_5 = scf.for %scan3A_215 = %scan3A_1 to %scan3A_3 step %scan3A_4 iter_args(%scan3A_216 = %scan3A) -> (i32)  : i32 {
      %broadcast_in_dim3A = arith.constant 0.000000e+00 : f32
      %broadcast_in_dim3A_217 = vector.broadcast %broadcast_in_dim3A : f32 to vector<16xf32>
      %swap3A = arith.index_cast %scan3A_215 : i32 to index
      %swap3A_218 = arith.constant 0 : index
      %swap3A_219 = tpu.vector_load %arg9[%swap3A, %swap3A_218] {strides = array<i32>} : memref<625x16xf32, #tpu.memory_space<vmem>>, vector<1x16xf32>,
      %swap3A_220 = vector.shape_cast %swap3A_219 : vector<1x16xf32> to vector<16xf32>
      %swap3A_221 = vector.shape_cast %broadcast_in_dim3A_217 : vector<16xf32> to vector<1x16xf32>
      tpu.vector_store %arg9[%swap3A, %swap3A_218], %swap3A_221 {strides = array<i32>} : memref<625x16xf32, #tpu.memory_space<vmem>>, vector<1x16xf32>,
      %scan3A_222 = arith.constant 0 : i32
      scf.yield %scan3A_222 : i32
    }
    %scan3A_6 = arith.constant 625 : i32
    %mul3A_7 = arith.constant 625 : i32
    %mul3A_8 = arith.muli %arg1, %mul3A_7 : i32
    "tpu.region"() ({
      %run_scoped3A = tpu.sem_alloc : memref<!tpu.dma_semaphore, #tpu.memory_space<semaphore_mem>>
      %dma_start3A_215 = arith.constant 0 : i32
      %dma_start3A_216 = tpu.memref_slice %arg10[%mul3A_8, %dma_start3A_215] : memref<10512x16xf32, #tpu.memory_space<vmem_shared>> -> memref<625x16xf32, #tpu.memory_space<vmem_shared>>
      %dma_start3A_217 = arith.constant 0 : i32
      %dma_start3A_218 = tpu.memref_slice %arg10[%mul3A_8, %dma_start3A_217] : memref<10512x16xf32, #tpu.memory_space<vmem_shared>> -> memref<625x16xf32, #tpu.memory_space<vmem_shared>>
      tpu.enqueue_dma source(%arg9 : memref<625x16xf32, #tpu.memory_space<vmem>>) target(%dma_start3A_218 : memref<625x16xf32, #tpu.memory_space<vmem_shared>>) target_semaphore(%run_scoped3A : memref<!tpu.dma_semaphore, #tpu.memory_space<semaphore_mem>>)
      %dma_wait3A_219 = arith.constant 0 : i32
      %dma_wait3A_220 = tpu.memref_slice %arg10[%mul3A_8, %dma_wait3A_219] : memref<10512x16xf32, #tpu.memory_space<vmem_shared>> -> memref<625x16xf32, #tpu.memory_space<vmem_shared>>
      %dma_wait3A_221 = arith.constant 0 : i32
      %dma_wait3A_222 = tpu.memref_slice %arg10[%mul3A_8, %dma_wait3A_221] : memref<10512x16xf32, #tpu.memory_space<vmem_shared>> -> memref<625x16xf32, #tpu.memory_space<vmem_shared>>
      tpu.wait_dma2 semaphore(%run_scoped3A : memref<!tpu.dma_semaphore, #tpu.memory_space<semaphore_mem>>) src(%arg9 : memref<625x16xf32, #tpu.memory_space<vmem>>) dst(%dma_wait3A_222 : memref<625x16xf32, #tpu.memory_space<vmem_shared>>)
      tpu.yield
    }) : () -> ()
    %barrier3A = arith.constant 0 : index
    tpu.barrier barrier_id(%barrier3A)
    "tpu.region"() ({
      %run_scoped3A = tpu.sem_alloc : memref<!tpu.dma_semaphore, #tpu.memory_space<semaphore_mem>>
      %dma_start3A_215 = arith.constant 0 : i32
      %dma_start3A_216 = arith.constant 0 : i32
      %dma_start3A_217 = tpu.memref_slice %arg3[%add3A, %dma_start3A_215, %dma_start3A_216] : memref<32x80x128xi32, #tpu.memory_space<hbm>> -> memref<1x80x128xi32, #tpu.memory_space<hbm>>
      %dma_start3A_218 = tpu.memref_squeeze %dma_start3A_217 : memref<1x80x128xi32, #tpu.memory_space<hbm>> -> memref<80x128xi32, #tpu.memory_space<hbm>>
      %dma_start3A_219 = arith.constant 0 : i32
      %dma_start3A_220 = arith.constant 0 : i32
      %dma_start3A_221 = tpu.memref_slice %arg3[%add3A, %dma_start3A_219, %dma_start3A_220] : memref<32x80x128xi32, #tpu.memory_space<hbm>> -> memref<1x80x128xi32, #tpu.memory_space<hbm>>
      %dma_start3A_222 = tpu.memref_squeeze %dma_start3A_221 : memref<1x80x128xi32, #tpu.memory_space<hbm>> -> memref<80x128xi32, #tpu.memory_space<hbm>>
      tpu.enqueue_dma source(%dma_start3A_222 : memref<80x128xi32, #tpu.memory_space<hbm>>) target(%arg6 : memref<80x128xi32, #tpu.memory_space<vmem>>) target_semaphore(%run_scoped3A : memref<!tpu.dma_semaphore, #tpu.memory_space<semaphore_mem>>)
      %dma_wait3A_223 = arith.constant 0 : i32
      %dma_wait3A_224 = arith.constant 0 : i32
      %dma_wait3A_225 = tpu.memref_slice %arg3[%add3A, %dma_wait3A_223, %dma_wait3A_224] : memref<32x80x128xi32, #tpu.memory_space<hbm>> -> memref<1x80x128xi32, #tpu.memory_space<hbm>>
      %dma_wait3A_226 = tpu.memref_squeeze %dma_wait3A_225 : memref<1x80x128xi32, #tpu.memory_space<hbm>> -> memref<80x128xi32, #tpu.memory_space<hbm>>
      %dma_wait3A_227 = arith.constant 0 : i32
      %dma_wait3A_228 = arith.constant 0 : i32
      %dma_wait3A_229 = tpu.memref_slice %arg3[%add3A, %dma_wait3A_227, %dma_wait3A_228] : memref<32x80x128xi32, #tpu.memory_space<hbm>> -> memref<1x80x128xi32, #tpu.memory_space<hbm>>
      %dma_wait3A_230 = tpu.memref_squeeze %dma_wait3A_229 : memref<1x80x128xi32, #tpu.memory_space<hbm>> -> memref<80x128xi32, #tpu.memory_space<hbm>>
      tpu.wait_dma2 semaphore(%run_scoped3A : memref<!tpu.dma_semaphore, #tpu.memory_space<semaphore_mem>>) src(%dma_wait3A_230 : memref<80x128xi32, #tpu.memory_space<hbm>>) dst(%arg6 : memref<80x128xi32, #tpu.memory_space<vmem>>)
      tpu.yield
    }) : () -> ()
    "tpu.region"() ({
      %run_scoped3A = tpu.sem_alloc : memref<!tpu.dma_semaphore, #tpu.memory_space<semaphore_mem>>
      %dma_start3A_215 = arith.constant 0 : i32
      %dma_start3A_216 = arith.constant 0 : i32
      %dma_start3A_217 = tpu.memref_slice %arg4[%add3A, %dma_start3A_215, %dma_start3A_216] : memref<32x80x128xi32, #tpu.memory_space<hbm>> -> memref<1x80x128xi32, #tpu.memory_space<hbm>>
      %dma_start3A_218 = tpu.memref_squeeze %dma_start3A_217 : memref<1x80x128xi32, #tpu.memory_space<hbm>> -> memref<80x128xi32, #tpu.memory_space<hbm>>
      %dma_start3A_219 = arith.constant 0 : i32
      %dma_start3A_220 = arith.constant 0 : i32
      %dma_start3A_221 = tpu.memref_slice %arg4[%add3A, %dma_start3A_219, %dma_start3A_220] : memref<32x80x128xi32, #tpu.memory_space<hbm>> -> memref<1x80x128xi32, #tpu.memory_space<hbm>>
      %dma_start3A_222 = tpu.memref_squeeze %dma_start3A_221 : memref<1x80x128xi32, #tpu.memory_space<hbm>> -> memref<80x128xi32, #tpu.memory_space<hbm>>
      tpu.enqueue_dma source(%dma_start3A_222 : memref<80x128xi32, #tpu.memory_space<hbm>>) target(%arg7 : memref<80x128xi32, #tpu.memory_space<vmem>>) target_semaphore(%run_scoped3A : memref<!tpu.dma_semaphore, #tpu.memory_space<semaphore_mem>>)
      %dma_wait3A_223 = arith.constant 0 : i32
      %dma_wait3A_224 = arith.constant 0 : i32
      %dma_wait3A_225 = tpu.memref_slice %arg4[%add3A, %dma_wait3A_223, %dma_wait3A_224] : memref<32x80x128xi32, #tpu.memory_space<hbm>> -> memref<1x80x128xi32, #tpu.memory_space<hbm>>
      %dma_wait3A_226 = tpu.memref_squeeze %dma_wait3A_225 : memref<1x80x128xi32, #tpu.memory_space<hbm>> -> memref<80x128xi32, #tpu.memory_space<hbm>>
      %dma_wait3A_227 = arith.constant 0 : i32
      %dma_wait3A_228 = arith.constant 0 : i32
      %dma_wait3A_229 = tpu.memref_slice %arg4[%add3A, %dma_wait3A_227, %dma_wait3A_228] : memref<32x80x128xi32, #tpu.memory_space<hbm>> -> memref<1x80x128xi32, #tpu.memory_space<hbm>>
      %dma_wait3A_230 = tpu.memref_squeeze %dma_wait3A_229 : memref<1x80x128xi32, #tpu.memory_space<hbm>> -> memref<80x128xi32, #tpu.memory_space<hbm>>
      tpu.wait_dma2 semaphore(%run_scoped3A : memref<!tpu.dma_semaphore, #tpu.memory_space<semaphore_mem>>) src(%dma_wait3A_230 : memref<80x128xi32, #tpu.memory_space<hbm>>) dst(%arg7 : memref<80x128xi32, #tpu.memory_space<vmem>>)
      tpu.yield
    }) : () -> ()
    %dma_start3A = arith.constant 0 : i32
    %dma_start3A_9 = arith.constant 0 : i32
    %dma_start3A_10 = arith.constant 0 : i32
    %dma_start3A_11 = arith.constant 0 : i32
    %dma_start3A_12 = tpu.memref_slice %arg8[%dma_start3A_9, %dma_start3A_10, %dma_start3A_11] : memref<16x128x16xf32, #tpu.memory_space<vmem>> -> memref<1x128x16xf32, #tpu.memory_space<vmem>>
    %dma_start3A_13 = tpu.memref_squeeze %dma_start3A_12 : memref<1x128x16xf32, #tpu.memory_space<vmem>> -> memref<128x16xf32, #tpu.memory_space<vmem>>
    %dma_start3A_14 = arith.constant 0 : i32
    %dma_start3A_15 = tpu.memref_slice %arg6[%dma_start3A, %dma_start3A_14] : memref<80x128xi32, #tpu.memory_space<vmem>> -> memref<1x128xi32, #tpu.memory_space<vmem>>
    %dma_start3A_16 = tpu.memref_squeeze %dma_start3A_15 : memref<1x128xi32, #tpu.memory_space<vmem>> -> memref<128xi32, #tpu.memory_space<vmem>>
    %dma_start3A_17 = arith.constant 0 : i32
    %dma_start3A_18 = arith.constant 0 : i32
    %dma_start3A_19 = tpu.memref_slice %arg2[%dma_start3A_17, %dma_start3A_18] : memref<10000x16xf32, #tpu.memory_space<hbm>> -> memref<10000x16xf32, #tpu.memory_space<hbm>>
    tpu.enqueue_indirect_dma source(%dma_start3A_19 : memref<10000x16xf32, #tpu.memory_space<hbm>>) target(%dma_start3A_13 : memref<128x16xf32, #tpu.memory_space<vmem>>) offsets(%dma_start3A_16 : memref<128xi32, #tpu.memory_space<vmem>>) semaphore(%arg11 : memref<!tpu.dma_semaphore, #tpu.memory_space<semaphore_mem>>)
    %dma_start3A_20 = arith.constant 1 : i32
    %dma_start3A_21 = arith.constant 1 : i32
    %dma_start3A_22 = arith.constant 0 : i32
    %dma_start3A_23 = arith.constant 0 : i32
    %dma_start3A_24 = tpu.memref_slice %arg8[%dma_start3A_21, %dma_start3A_22, %dma_start3A_23] : memref<16x128x16xf32, #tpu.memory_space<vmem>> -> memref<1x128x16xf32, #tpu.memory_space<vmem>>
    %dma_start3A_25 = tpu.memref_squeeze %dma_start3A_24 : memref<1x128x16xf32, #tpu.memory_space<vmem>> -> memref<128x16xf32, #tpu.memory_space<vmem>>
    %dma_start3A_26 = arith.constant 0 : i32
    %dma_start3A_27 = tpu.memref_slice %arg6[%dma_start3A_20, %dma_start3A_26] : memref<80x128xi32, #tpu.memory_space<vmem>> -> memref<1x128xi32, #tpu.memory_space<vmem>>
    %dma_start3A_28 = tpu.memref_squeeze %dma_start3A_27 : memref<1x128xi32, #tpu.memory_space<vmem>> -> memref<128xi32, #tpu.memory_space<vmem>>
    %dma_start3A_29 = arith.constant 0 : i32
    %dma_start3A_30 = arith.constant 0 : i32
    %dma_start3A_31 = tpu.memref_slice %arg2[%dma_start3A_29, %dma_start3A_30] : memref<10000x16xf32, #tpu.memory_space<hbm>> -> memref<10000x16xf32, #tpu.memory_space<hbm>>
    tpu.enqueue_indirect_dma source(%dma_start3A_31 : memref<10000x16xf32, #tpu.memory_space<hbm>>) target(%dma_start3A_25 : memref<128x16xf32, #tpu.memory_space<vmem>>) offsets(%dma_start3A_28 : memref<128xi32, #tpu.memory_space<vmem>>) semaphore(%arg11 : memref<!tpu.dma_semaphore, #tpu.memory_space<semaphore_mem>>)
    %dma_start3A_32 = arith.constant 2 : i32
    %dma_start3A_33 = arith.constant 2 : i32
    %dma_start3A_34 = arith.constant 0 : i32
    %dma_start3A_35 = arith.constant 0 : i32
    %dma_start3A_36 = tpu.memref_slice %arg8[%dma_start3A_33, %dma_start3A_34, %dma_start3A_35] : memref<16x128x16xf32, #tpu.memory_space<vmem>> -> memref<1x128x16xf32, #tpu.memory_space<vmem>>
    %dma_start3A_37 = tpu.memref_squeeze %dma_start3A_36 : memref<1x128x16xf32, #tpu.memory_space<vmem>> -> memref<128x16xf32, #tpu.memory_space<vmem>>
    %dma_start3A_38 = arith.constant 0 : i32
    %dma_start3A_39 = tpu.memref_slice %arg6[%dma_start3A_32, %dma_start3A_38] : memref<80x128xi32, #tpu.memory_space<vmem>> -> memref<1x128xi32, #tpu.memory_space<vmem>>
    %dma_start3A_40 = tpu.memref_squeeze %dma_start3A_39 : memref<1x128xi32, #tpu.memory_space<vmem>> -> memref<128xi32, #tpu.memory_space<vmem>>
    %dma_start3A_41 = arith.constant 0 : i32
    %dma_start3A_42 = arith.constant 0 : i32
    %dma_start3A_43 = tpu.memref_slice %arg2[%dma_start3A_41, %dma_start3A_42] : memref<10000x16xf32, #tpu.memory_space<hbm>> -> memref<10000x16xf32, #tpu.memory_space<hbm>>
    tpu.enqueue_indirect_dma source(%dma_start3A_43 : memref<10000x16xf32, #tpu.memory_space<hbm>>) target(%dma_start3A_37 : memref<128x16xf32, #tpu.memory_space<vmem>>) offsets(%dma_start3A_40 : memref<128xi32, #tpu.memory_space<vmem>>) semaphore(%arg11 : memref<!tpu.dma_semaphore, #tpu.memory_space<semaphore_mem>>)
    %dma_start3A_44 = arith.constant 3 : i32
    %dma_start3A_45 = arith.constant 3 : i32
    %dma_start3A_46 = arith.constant 0 : i32
    %dma_start3A_47 = arith.constant 0 : i32
    %dma_start3A_48 = tpu.memref_slice %arg8[%dma_start3A_45, %dma_start3A_46, %dma_start3A_47] : memref<16x128x16xf32, #tpu.memory_space<vmem>> -> memref<1x128x16xf32, #tpu.memory_space<vmem>>
    %dma_start3A_49 = tpu.memref_squeeze %dma_start3A_48 : memref<1x128x16xf32, #tpu.memory_space<vmem>> -> memref<128x16xf32, #tpu.memory_space<vmem>>
    %dma_start3A_50 = arith.constant 0 : i32
    %dma_start3A_51 = tpu.memref_slice %arg6[%dma_start3A_44, %dma_start3A_50] : memref<80x128xi32, #tpu.memory_space<vmem>> -> memref<1x128xi32, #tpu.memory_space<vmem>>
    %dma_start3A_52 = tpu.memref_squeeze %dma_start3A_51 : memref<1x128xi32, #tpu.memory_space<vmem>> -> memref<128xi32, #tpu.memory_space<vmem>>
    %dma_start3A_53 = arith.constant 0 : i32
    %dma_start3A_54 = arith.constant 0 : i32
    %dma_start3A_55 = tpu.memref_slice %arg2[%dma_start3A_53, %dma_start3A_54] : memref<10000x16xf32, #tpu.memory_space<hbm>> -> memref<10000x16xf32, #tpu.memory_space<hbm>>
    tpu.enqueue_indirect_dma source(%dma_start3A_55 : memref<10000x16xf32, #tpu.memory_space<hbm>>) target(%dma_start3A_49 : memref<128x16xf32, #tpu.memory_space<vmem>>) offsets(%dma_start3A_52 : memref<128xi32, #tpu.memory_space<vmem>>) semaphore(%arg11 : memref<!tpu.dma_semaphore, #tpu.memory_space<semaphore_mem>>)
    %dma_start3A_56 = arith.constant 4 : i32
    %dma_start3A_57 = arith.constant 4 : i32
    %dma_start3A_58 = arith.constant 0 : i32
    %dma_start3A_59 = arith.constant 0 : i32
    %dma_start3A_60 = tpu.memref_slice %arg8[%dma_start3A_57, %dma_start3A_58, %dma_start3A_59] : memref<16x128x16xf32, #tpu.memory_space<vmem>> -> memref<1x128x16xf32, #tpu.memory_space<vmem>>
    %dma_start3A_61 = tpu.memref_squeeze %dma_start3A_60 : memref<1x128x16xf32, #tpu.memory_space<vmem>> -> memref<128x16xf32, #tpu.memory_space<vmem>>
    %dma_start3A_62 = arith.constant 0 : i32
    %dma_start3A_63 = tpu.memref_slice %arg6[%dma_start3A_56, %dma_start3A_62] : memref<80x128xi32, #tpu.memory_space<vmem>> -> memref<1x128xi32, #tpu.memory_space<vmem>>
    %dma_start3A_64 = tpu.memref_squeeze %dma_start3A_63 : memref<1x128xi32, #tpu.memory_space<vmem>> -> memref<128xi32, #tpu.memory_space<vmem>>
    %dma_start3A_65 = arith.constant 0 : i32
    %dma_start3A_66 = arith.constant 0 : i32
    %dma_start3A_67 = tpu.memref_slice %arg2[%dma_start3A_65, %dma_start3A_66] : memref<10000x16xf32, #tpu.memory_space<hbm>> -> memref<10000x16xf32, #tpu.memory_space<hbm>>
    tpu.enqueue_indirect_dma source(%dma_start3A_67 : memref<10000x16xf32, #tpu.memory_space<hbm>>) target(%dma_start3A_61 : memref<128x16xf32, #tpu.memory_space<vmem>>) offsets(%dma_start3A_64 : memref<128xi32, #tpu.memory_space<vmem>>) semaphore(%arg11 : memref<!tpu.dma_semaphore, #tpu.memory_space<semaphore_mem>>)
    %dma_start3A_68 = arith.constant 5 : i32
    %dma_start3A_69 = arith.constant 5 : i32
    %dma_start3A_70 = arith.constant 0 : i32
    %dma_start3A_71 = arith.constant 0 : i32
    %dma_start3A_72 = tpu.memref_slice %arg8[%dma_start3A_69, %dma_start3A_70, %dma_start3A_71] : memref<16x128x16xf32, #tpu.memory_space<vmem>> -> memref<1x128x16xf32, #tpu.memory_space<vmem>>
    %dma_start3A_73 = tpu.memref_squeeze %dma_start3A_72 : memref<1x128x16xf32, #tpu.memory_space<vmem>> -> memref<128x16xf32, #tpu.memory_space<vmem>>
    %dma_start3A_74 = arith.constant 0 : i32
    %dma_start3A_75 = tpu.memref_slice %arg6[%dma_start3A_68, %dma_start3A_74] : memref<80x128xi32, #tpu.memory_space<vmem>> -> memref<1x128xi32, #tpu.memory_space<vmem>>
    %dma_start3A_76 = tpu.memref_squeeze %dma_start3A_75 : memref<1x128xi32, #tpu.memory_space<vmem>> -> memref<128xi32, #tpu.memory_space<vmem>>
    %dma_start3A_77 = arith.constant 0 : i32
    %dma_start3A_78 = arith.constant 0 : i32
    %dma_start3A_79 = tpu.memref_slice %arg2[%dma_start3A_77, %dma_start3A_78] : memref<10000x16xf32, #tpu.memory_space<hbm>> -> memref<10000x16xf32, #tpu.memory_space<hbm>>
    tpu.enqueue_indirect_dma source(%dma_start3A_79 : memref<10000x16xf32, #tpu.memory_space<hbm>>) target(%dma_start3A_73 : memref<128x16xf32, #tpu.memory_space<vmem>>) offsets(%dma_start3A_76 : memref<128xi32, #tpu.memory_space<vmem>>) semaphore(%arg11 : memref<!tpu.dma_semaphore, #tpu.memory_space<semaphore_mem>>)
    %dma_start3A_80 = arith.constant 6 : i32
    %dma_start3A_81 = arith.constant 6 : i32
    %dma_start3A_82 = arith.constant 0 : i32
    %dma_start3A_83 = arith.constant 0 : i32
    %dma_start3A_84 = tpu.memref_slice %arg8[%dma_start3A_81, %dma_start3A_82, %dma_start3A_83] : memref<16x128x16xf32, #tpu.memory_space<vmem>> -> memref<1x128x16xf32, #tpu.memory_space<vmem>>
    %dma_start3A_85 = tpu.memref_squeeze %dma_start3A_84 : memref<1x128x16xf32, #tpu.memory_space<vmem>> -> memref<128x16xf32, #tpu.memory_space<vmem>>
    %dma_start3A_86 = arith.constant 0 : i32
    %dma_start3A_87 = tpu.memref_slice %arg6[%dma_start3A_80, %dma_start3A_86] : memref<80x128xi32, #tpu.memory_space<vmem>> -> memref<1x128xi32, #tpu.memory_space<vmem>>
    %dma_start3A_88 = tpu.memref_squeeze %dma_start3A_87 : memref<1x128xi32, #tpu.memory_space<vmem>> -> memref<128xi32, #tpu.memory_space<vmem>>
    %dma_start3A_89 = arith.constant 0 : i32
    %dma_start3A_90 = arith.constant 0 : i32
    %dma_start3A_91 = tpu.memref_slice %arg2[%dma_start3A_89, %dma_start3A_90] : memref<10000x16xf32, #tpu.memory_space<hbm>> -> memref<10000x16xf32, #tpu.memory_space<hbm>>
    tpu.enqueue_indirect_dma source(%dma_start3A_91 : memref<10000x16xf32, #tpu.memory_space<hbm>>) target(%dma_start3A_85 : memref<128x16xf32, #tpu.memory_space<vmem>>) offsets(%dma_start3A_88 : memref<128xi32, #tpu.memory_space<vmem>>) semaphore(%arg11 : memref<!tpu.dma_semaphore, #tpu.memory_space<semaphore_mem>>)
    %dma_start3A_92 = arith.constant 7 : i32
    %dma_start3A_93 = arith.constant 7 : i32
    %dma_start3A_94 = arith.constant 0 : i32
    %dma_start3A_95 = arith.constant 0 : i32
    %dma_start3A_96 = tpu.memref_slice %arg8[%dma_start3A_93, %dma_start3A_94, %dma_start3A_95] : memref<16x128x16xf32, #tpu.memory_space<vmem>> -> memref<1x128x16xf32, #tpu.memory_space<vmem>>
    %dma_start3A_97 = tpu.memref_squeeze %dma_start3A_96 : memref<1x128x16xf32, #tpu.memory_space<vmem>> -> memref<128x16xf32, #tpu.memory_space<vmem>>
    %dma_start3A_98 = arith.constant 0 : i32
    %dma_start3A_99 = tpu.memref_slice %arg6[%dma_start3A_92, %dma_start3A_98] : memref<80x128xi32, #tpu.memory_space<vmem>> -> memref<1x128xi32, #tpu.memory_space<vmem>>
    %dma_start3A_100 = tpu.memref_squeeze %dma_start3A_99 : memref<1x128xi32, #tpu.memory_space<vmem>> -> memref<128xi32, #tpu.memory_space<vmem>>
    %dma_start3A_101 = arith.constant 0 : i32
    %dma_start3A_102 = arith.constant 0 : i32
    %dma_start3A_103 = tpu.memref_slice %arg2[%dma_start3A_101, %dma_start3A_102] : memref<10000x16xf32, #tpu.memory_space<hbm>> -> memref<10000x16xf32, #tpu.memory_space<hbm>>
    tpu.enqueue_indirect_dma source(%dma_start3A_103 : memref<10000x16xf32, #tpu.memory_space<hbm>>) target(%dma_start3A_97 : memref<128x16xf32, #tpu.memory_space<vmem>>) offsets(%dma_start3A_100 : memref<128xi32, #tpu.memory_space<vmem>>) semaphore(%arg11 : memref<!tpu.dma_semaphore, #tpu.memory_space<semaphore_mem>>)
    %dma_start3A_104 = arith.constant 8 : i32
    %dma_start3A_105 = arith.constant 8 : i32
    %dma_start3A_106 = arith.constant 0 : i32
    %dma_start3A_107 = arith.constant 0 : i32
    %dma_start3A_108 = tpu.memref_slice %arg8[%dma_start3A_105, %dma_start3A_106, %dma_start3A_107] : memref<16x128x16xf32, #tpu.memory_space<vmem>> -> memref<1x128x16xf32, #tpu.memory_space<vmem>>
    %dma_start3A_109 = tpu.memref_squeeze %dma_start3A_108 : memref<1x128x16xf32, #tpu.memory_space<vmem>> -> memref<128x16xf32, #tpu.memory_space<vmem>>
    %dma_start3A_110 = arith.constant 0 : i32
    %dma_start3A_111 = tpu.memref_slice %arg6[%dma_start3A_104, %dma_start3A_110] : memref<80x128xi32, #tpu.memory_space<vmem>> -> memref<1x128xi32, #tpu.memory_space<vmem>>
    %dma_start3A_112 = tpu.memref_squeeze %dma_start3A_111 : memref<1x128xi32, #tpu.memory_space<vmem>> -> memref<128xi32, #tpu.memory_space<vmem>>
    %dma_start3A_113 = arith.constant 0 : i32
    %dma_start3A_114 = arith.constant 0 : i32
    %dma_start3A_115 = tpu.memref_slice %arg2[%dma_start3A_113, %dma_start3A_114] : memref<10000x16xf32, #tpu.memory_space<hbm>> -> memref<10000x16xf32, #tpu.memory_space<hbm>>
    tpu.enqueue_indirect_dma source(%dma_start3A_115 : memref<10000x16xf32, #tpu.memory_space<hbm>>) target(%dma_start3A_109 : memref<128x16xf32, #tpu.memory_space<vmem>>) offsets(%dma_start3A_112 : memref<128xi32, #tpu.memory_space<vmem>>) semaphore(%arg11 : memref<!tpu.dma_semaphore, #tpu.memory_space<semaphore_mem>>)
    %dma_start3A_116 = arith.constant 9 : i32
    %dma_start3A_117 = arith.constant 9 : i32
    %dma_start3A_118 = arith.constant 0 : i32
    %dma_start3A_119 = arith.constant 0 : i32
    %dma_start3A_120 = tpu.memref_slice %arg8[%dma_start3A_117, %dma_start3A_118, %dma_start3A_119] : memref<16x128x16xf32, #tpu.memory_space<vmem>> -> memref<1x128x16xf32, #tpu.memory_space<vmem>>
    %dma_start3A_121 = tpu.memref_squeeze %dma_start3A_120 : memref<1x128x16xf32, #tpu.memory_space<vmem>> -> memref<128x16xf32, #tpu.memory_space<vmem>>
    %dma_start3A_122 = arith.constant 0 : i32
    %dma_start3A_123 = tpu.memref_slice %arg6[%dma_start3A_116, %dma_start3A_122] : memref<80x128xi32, #tpu.memory_space<vmem>> -> memref<1x128xi32, #tpu.memory_space<vmem>>
    %dma_start3A_124 = tpu.memref_squeeze %dma_start3A_123 : memref<1x128xi32, #tpu.memory_space<vmem>> -> memref<128xi32, #tpu.memory_space<vmem>>
    %dma_start3A_125 = arith.constant 0 : i32
    %dma_start3A_126 = arith.constant 0 : i32
    %dma_start3A_127 = tpu.memref_slice %arg2[%dma_start3A_125, %dma_start3A_126] : memref<10000x16xf32, #tpu.memory_space<hbm>> -> memref<10000x16xf32, #tpu.memory_space<hbm>>
    tpu.enqueue_indirect_dma source(%dma_start3A_127 : memref<10000x16xf32, #tpu.memory_space<hbm>>) target(%dma_start3A_121 : memref<128x16xf32, #tpu.memory_space<vmem>>) offsets(%dma_start3A_124 : memref<128xi32, #tpu.memory_space<vmem>>) semaphore(%arg11 : memref<!tpu.dma_semaphore, #tpu.memory_space<semaphore_mem>>)
    %dma_start3A_128 = arith.constant 10 : i32
    %dma_start3A_129 = arith.constant 10 : i32
    %dma_start3A_130 = arith.constant 0 : i32
    %dma_start3A_131 = arith.constant 0 : i32
    %dma_start3A_132 = tpu.memref_slice %arg8[%dma_start3A_129, %dma_start3A_130, %dma_start3A_131] : memref<16x128x16xf32, #tpu.memory_space<vmem>> -> memref<1x128x16xf32, #tpu.memory_space<vmem>>
    %dma_start3A_133 = tpu.memref_squeeze %dma_start3A_132 : memref<1x128x16xf32, #tpu.memory_space<vmem>> -> memref<128x16xf32, #tpu.memory_space<vmem>>
    %dma_start3A_134 = arith.constant 0 : i32
    %dma_start3A_135 = tpu.memref_slice %arg6[%dma_start3A_128, %dma_start3A_134] : memref<80x128xi32, #tpu.memory_space<vmem>> -> memref<1x128xi32, #tpu.memory_space<vmem>>
    %dma_start3A_136 = tpu.memref_squeeze %dma_start3A_135 : memref<1x128xi32, #tpu.memory_space<vmem>> -> memref<128xi32, #tpu.memory_space<vmem>>
    %dma_start3A_137 = arith.constant 0 : i32
    %dma_start3A_138 = arith.constant 0 : i32
    %dma_start3A_139 = tpu.memref_slice %arg2[%dma_start3A_137, %dma_start3A_138] : memref<10000x16xf32, #tpu.memory_space<hbm>> -> memref<10000x16xf32, #tpu.memory_space<hbm>>
    tpu.enqueue_indirect_dma source(%dma_start3A_139 : memref<10000x16xf32, #tpu.memory_space<hbm>>) target(%dma_start3A_133 : memref<128x16xf32, #tpu.memory_space<vmem>>) offsets(%dma_start3A_136 : memref<128xi32, #tpu.memory_space<vmem>>) semaphore(%arg11 : memref<!tpu.dma_semaphore, #tpu.memory_space<semaphore_mem>>)
    %dma_start3A_140 = arith.constant 11 : i32
    %dma_start3A_141 = arith.constant 11 : i32
    %dma_start3A_142 = arith.constant 0 : i32
    %dma_start3A_143 = arith.constant 0 : i32
    %dma_start3A_144 = tpu.memref_slice %arg8[%dma_start3A_141, %dma_start3A_142, %dma_start3A_143] : memref<16x128x16xf32, #tpu.memory_space<vmem>> -> memref<1x128x16xf32, #tpu.memory_space<vmem>>
    %dma_start3A_145 = tpu.memref_squeeze %dma_start3A_144 : memref<1x128x16xf32, #tpu.memory_space<vmem>> -> memref<128x16xf32, #tpu.memory_space<vmem>>
    %dma_start3A_146 = arith.constant 0 : i32
    %dma_start3A_147 = tpu.memref_slice %arg6[%dma_start3A_140, %dma_start3A_146] : memref<80x128xi32, #tpu.memory_space<vmem>> -> memref<1x128xi32, #tpu.memory_space<vmem>>
    %dma_start3A_148 = tpu.memref_squeeze %dma_start3A_147 : memref<1x128xi32, #tpu.memory_space<vmem>> -> memref<128xi32, #tpu.memory_space<vmem>>
    %dma_start3A_149 = arith.constant 0 : i32
    %dma_start3A_150 = arith.constant 0 : i32
    %dma_start3A_151 = tpu.memref_slice %arg2[%dma_start3A_149, %dma_start3A_150] : memref<10000x16xf32, #tpu.memory_space<hbm>> -> memref<10000x16xf32, #tpu.memory_space<hbm>>
    tpu.enqueue_indirect_dma source(%dma_start3A_151 : memref<10000x16xf32, #tpu.memory_space<hbm>>) target(%dma_start3A_145 : memref<128x16xf32, #tpu.memory_space<vmem>>) offsets(%dma_start3A_148 : memref<128xi32, #tpu.memory_space<vmem>>) semaphore(%arg11 : memref<!tpu.dma_semaphore, #tpu.memory_space<semaphore_mem>>)
    %dma_start3A_152 = arith.constant 12 : i32
    %dma_start3A_153 = arith.constant 12 : i32
    %dma_start3A_154 = arith.constant 0 : i32
    %dma_start3A_155 = arith.constant 0 : i32
    %dma_start3A_156 = tpu.memref_slice %arg8[%dma_start3A_153, %dma_start3A_154, %dma_start3A_155] : memref<16x128x16xf32, #tpu.memory_space<vmem>> -> memref<1x128x16xf32, #tpu.memory_space<vmem>>
    %dma_start3A_157 = tpu.memref_squeeze %dma_start3A_156 : memref<1x128x16xf32, #tpu.memory_space<vmem>> -> memref<128x16xf32, #tpu.memory_space<vmem>>
    %dma_start3A_158 = arith.constant 0 : i32
    %dma_start3A_159 = tpu.memref_slice %arg6[%dma_start3A_152, %dma_start3A_158] : memref<80x128xi32, #tpu.memory_space<vmem>> -> memref<1x128xi32, #tpu.memory_space<vmem>>
    %dma_start3A_160 = tpu.memref_squeeze %dma_start3A_159 : memref<1x128xi32, #tpu.memory_space<vmem>> -> memref<128xi32, #tpu.memory_space<vmem>>
    %dma_start3A_161 = arith.constant 0 : i32
    %dma_start3A_162 = arith.constant 0 : i32
    %dma_start3A_163 = tpu.memref_slice %arg2[%dma_start3A_161, %dma_start3A_162] : memref<10000x16xf32, #tpu.memory_space<hbm>> -> memref<10000x16xf32, #tpu.memory_space<hbm>>
    tpu.enqueue_indirect_dma source(%dma_start3A_163 : memref<10000x16xf32, #tpu.memory_space<hbm>>) target(%dma_start3A_157 : memref<128x16xf32, #tpu.memory_space<vmem>>) offsets(%dma_start3A_160 : memref<128xi32, #tpu.memory_space<vmem>>) semaphore(%arg11 : memref<!tpu.dma_semaphore, #tpu.memory_space<semaphore_mem>>)
    %dma_start3A_164 = arith.constant 13 : i32
    %dma_start3A_165 = arith.constant 13 : i32
    %dma_start3A_166 = arith.constant 0 : i32
    %dma_start3A_167 = arith.constant 0 : i32
    %dma_start3A_168 = tpu.memref_slice %arg8[%dma_start3A_165, %dma_start3A_166, %dma_start3A_167] : memref<16x128x16xf32, #tpu.memory_space<vmem>> -> memref<1x128x16xf32, #tpu.memory_space<vmem>>
    %dma_start3A_169 = tpu.memref_squeeze %dma_start3A_168 : memref<1x128x16xf32, #tpu.memory_space<vmem>> -> memref<128x16xf32, #tpu.memory_space<vmem>>
    %dma_start3A_170 = arith.constant 0 : i32
    %dma_start3A_171 = tpu.memref_slice %arg6[%dma_start3A_164, %dma_start3A_170] : memref<80x128xi32, #tpu.memory_space<vmem>> -> memref<1x128xi32, #tpu.memory_space<vmem>>
    %dma_start3A_172 = tpu.memref_squeeze %dma_start3A_171 : memref<1x128xi32, #tpu.memory_space<vmem>> -> memref<128xi32, #tpu.memory_space<vmem>>
    %dma_start3A_173 = arith.constant 0 : i32
    %dma_start3A_174 = arith.constant 0 : i32
    %dma_start3A_175 = tpu.memref_slice %arg2[%dma_start3A_173, %dma_start3A_174] : memref<10000x16xf32, #tpu.memory_space<hbm>> -> memref<10000x16xf32, #tpu.memory_space<hbm>>
    tpu.enqueue_indirect_dma source(%dma_start3A_175 : memref<10000x16xf32, #tpu.memory_space<hbm>>) target(%dma_start3A_169 : memref<128x16xf32, #tpu.memory_space<vmem>>) offsets(%dma_start3A_172 : memref<128xi32, #tpu.memory_space<vmem>>) semaphore(%arg11 : memref<!tpu.dma_semaphore, #tpu.memory_space<semaphore_mem>>)
    %scan3A_176 = arith.constant 0 : i32
    %scan3A_177 = arith.constant 0 : i32
    %scan3A_178 = arith.constant 80 : i32
    %scan3A_179 = arith.addi %scan3A_177, %scan3A_178 : i32
    %scan3A_180 = arith.constant 1 : i32
    %scan3A_181 = scf.for %scan3A_215 = %scan3A_177 to %scan3A_179 step %scan3A_180 iter_args(%scan3A_216 = %scan3A_176) -> (i32)  : i32 {
      %rem3A = arith.constant 16 : i32
      %rem3A_217 = arith.remsi %scan3A_215, %rem3A : i32
      %dma_wait3A_218 = arith.constant 0 : i32
      %dma_wait3A_219 = arith.constant 0 : i32
      %dma_wait3A_220 = tpu.memref_slice %arg8[%rem3A_217, %dma_wait3A_218, %dma_wait3A_219] : memref<16x128x16xf32, #tpu.memory_space<vmem>> -> memref<1x128x16xf32, #tpu.memory_space<vmem>>
      %dma_wait3A_221 = tpu.memref_squeeze %dma_wait3A_220 : memref<1x128x16xf32, #tpu.memory_space<vmem>> -> memref<128x16xf32, #tpu.memory_space<vmem>>
      %dma_wait3A_222 = arith.constant 0 : i32
      %dma_wait3A_223 = arith.constant 0 : i32
      %dma_wait3A_224 = tpu.memref_slice %arg2[%dma_wait3A_222, %dma_wait3A_223] : memref<10000x16xf32, #tpu.memory_space<hbm>> -> memref<128x16xf32, #tpu.memory_space<hbm>>
      %dma_wait3A_225 = arith.constant 0 : i32
      %dma_wait3A_226 = arith.constant 0 : i32
      %dma_wait3A_227 = tpu.memref_slice %arg8[%rem3A_217, %dma_wait3A_225, %dma_wait3A_226] : memref<16x128x16xf32, #tpu.memory_space<vmem>> -> memref<1x128x16xf32, #tpu.memory_space<vmem>>
      %dma_wait3A_228 = tpu.memref_squeeze %dma_wait3A_227 : memref<1x128x16xf32, #tpu.memory_space<vmem>> -> memref<128x16xf32, #tpu.memory_space<vmem>>
      %dma_wait3A_229 = arith.constant 0 : i32
      %dma_wait3A_230 = arith.constant 0 : i32
      %dma_wait3A_231 = tpu.memref_slice %arg2[%dma_wait3A_229, %dma_wait3A_230] : memref<10000x16xf32, #tpu.memory_space<hbm>> -> memref<128x16xf32, #tpu.memory_space<hbm>>
      tpu.wait_dma2 semaphore(%arg11 : memref<!tpu.dma_semaphore, #tpu.memory_space<semaphore_mem>>) src(%dma_wait3A_231 : memref<128x16xf32, #tpu.memory_space<hbm>>) dst(%dma_wait3A_228 : memref<128x16xf32, #tpu.memory_space<vmem>>)
      %dma_start3A_232 = arith.constant 0 : i32
      %dma_start3A_233 = arith.constant 0 : i32
      %dma_start3A_234 = tpu.memref_slice %arg8[%rem3A_217, %dma_start3A_232, %dma_start3A_233] : memref<16x128x16xf32, #tpu.memory_space<vmem>> -> memref<1x128x16xf32, #tpu.memory_space<vmem>>
      %dma_start3A_235 = tpu.memref_squeeze %dma_start3A_234 : memref<1x128x16xf32, #tpu.memory_space<vmem>> -> memref<128x16xf32, #tpu.memory_space<vmem>>
      %dma_start3A_236 = arith.constant 0 : i32
      %dma_start3A_237 = tpu.memref_slice %arg7[%scan3A_215, %dma_start3A_236] : memref<80x128xi32, #tpu.memory_space<vmem>> -> memref<1x128xi32, #tpu.memory_space<vmem>>
      %dma_start3A_238 = tpu.memref_squeeze %dma_start3A_237 : memref<1x128xi32, #tpu.memory_space<vmem>> -> memref<128xi32, #tpu.memory_space<vmem>>
      %dma_start3A_239 = arith.constant 0 : i32
      %dma_start3A_240 = arith.constant 0 : i32
      %dma_start3A_241 = tpu.memref_slice %arg10[%dma_start3A_239, %dma_start3A_240] : memref<10512x16xf32, #tpu.memory_space<vmem_shared>> -> memref<10512x16xf32, #tpu.memory_space<vmem_shared>>
      tpu.enqueue_indirect_dma source(%dma_start3A_235 : memref<128x16xf32, #tpu.memory_space<vmem>>) target(%dma_start3A_241 : memref<10512x16xf32, #tpu.memory_space<vmem_shared>>) offsets(%dma_start3A_238 : memref<128xi32, #tpu.memory_space<vmem>>) semaphore(%arg12 : memref<!tpu.dma_semaphore, #tpu.memory_space<semaphore_mem>>) {add = true}
      %ge3A = arith.constant 2 : i32
      %ge3A_242 = arith.cmpi sge, %scan3A_215, %ge3A : i32
      %convert_element_type3A = arith.extui %ge3A_242 : i1 to i32
      %cond3A = arith.constant 0 : i32
      %cond3A_243 = arith.cmpi ne, %convert_element_type3A, %cond3A : i32
      scf.if %cond3A_243 {
        %dma_wait3A_252 = arith.constant 0 : i32
        %dma_wait3A_253 = arith.constant 0 : i32
        %dma_wait3A_254 = arith.constant 0 : i32
        %dma_wait3A_255 = tpu.memref_slice %arg8[%dma_wait3A_252, %dma_wait3A_253, %dma_wait3A_254] : memref<16x128x16xf32, #tpu.memory_space<vmem>> -> memref<1x128x16xf32, #tpu.memory_space<vmem>>
        %dma_wait3A_256 = tpu.memref_squeeze %dma_wait3A_255 : memref<1x128x16xf32, #tpu.memory_space<vmem>> -> memref<128x16xf32, #tpu.memory_space<vmem>>
        %dma_wait3A_257 = arith.constant 0 : i32
        %dma_wait3A_258 = arith.constant 0 : i32
        %dma_wait3A_259 = tpu.memref_slice %arg2[%dma_wait3A_257, %dma_wait3A_258] : memref<10000x16xf32, #tpu.memory_space<hbm>> -> memref<128x16xf32, #tpu.memory_space<hbm>>
        %dma_wait3A_260 = arith.constant 0 : i32
        %dma_wait3A_261 = arith.constant 0 : i32
        %dma_wait3A_262 = tpu.memref_slice %arg8[%dma_wait3A_252, %dma_wait3A_260, %dma_wait3A_261] : memref<16x128x16xf32, #tpu.memory_space<vmem>> -> memref<1x128x16xf32, #tpu.memory_space<vmem>>
        %dma_wait3A_263 = tpu.memref_squeeze %dma_wait3A_262 : memref<1x128x16xf32, #tpu.memory_space<vmem>> -> memref<128x16xf32, #tpu.memory_space<vmem>>
        %dma_wait3A_264 = arith.constant 0 : i32
        %dma_wait3A_265 = arith.constant 0 : i32
        %dma_wait3A_266 = tpu.memref_slice %arg2[%dma_wait3A_264, %dma_wait3A_265] : memref<10000x16xf32, #tpu.memory_space<hbm>> -> memref<128x16xf32, #tpu.memory_space<hbm>>
        tpu.wait_dma2 semaphore(%arg12 : memref<!tpu.dma_semaphore, #tpu.memory_space<semaphore_mem>>) src(%dma_wait3A_266 : memref<128x16xf32, #tpu.memory_space<hbm>>) dst(%dma_wait3A_263 : memref<128x16xf32, #tpu.memory_space<vmem>>)
      } else {
      }
      %add3A_244 = arith.constant 16 : i32
      %add3A_245 = arith.addi %scan3A_215, %add3A_244 : i32
      %sub3A = arith.constant 2 : i32
      %sub3A_246 = arith.subi %add3A_245, %sub3A : i32
      %lt3A = arith.constant 80 : i32
      %lt3A_247 = arith.cmpi slt, %sub3A_246, %lt3A : i32
      %convert_element_type3A_248 = arith.extui %lt3A_247 : i1 to i32
      %cond3A_249 = arith.constant 0 : i32
      %cond3A_250 = arith.cmpi ne, %convert_element_type3A_248, %cond3A_249 : i32
      scf.if %cond3A_250 {
        %rem3A_252 = arith.constant 16 : i32
        %rem3A_253 = arith.remsi %sub3A_246, %rem3A_252 : i32
        %dma_start3A_254 = arith.constant 0 : i32
        %dma_start3A_255 = arith.constant 0 : i32
        %dma_start3A_256 = tpu.memref_slice %arg8[%rem3A_253, %dma_start3A_254, %dma_start3A_255] : memref<16x128x16xf32, #tpu.memory_space<vmem>> -> memref<1x128x16xf32, #tpu.memory_space<vmem>>
        %dma_start3A_257 = tpu.memref_squeeze %dma_start3A_256 : memref<1x128x16xf32, #tpu.memory_space<vmem>> -> memref<128x16xf32, #tpu.memory_space<vmem>>
        %dma_start3A_258 = arith.constant 0 : i32
        %dma_start3A_259 = tpu.memref_slice %arg6[%sub3A_246, %dma_start3A_258] : memref<80x128xi32, #tpu.memory_space<vmem>> -> memref<1x128xi32, #tpu.memory_space<vmem>>
        %dma_start3A_260 = tpu.memref_squeeze %dma_start3A_259 : memref<1x128xi32, #tpu.memory_space<vmem>> -> memref<128xi32, #tpu.memory_space<vmem>>
        %dma_start3A_261 = arith.constant 0 : i32
        %dma_start3A_262 = arith.constant 0 : i32
        %dma_start3A_263 = tpu.memref_slice %arg2[%dma_start3A_261, %dma_start3A_262] : memref<10000x16xf32, #tpu.memory_space<hbm>> -> memref<10000x16xf32, #tpu.memory_space<hbm>>
        tpu.enqueue_indirect_dma source(%dma_start3A_263 : memref<10000x16xf32, #tpu.memory_space<hbm>>) target(%dma_start3A_257 : memref<128x16xf32, #tpu.memory_space<vmem>>) offsets(%dma_start3A_260 : memref<128xi32, #tpu.memory_space<vmem>>) semaphore(%arg11 : memref<!tpu.dma_semaphore, #tpu.memory_space<semaphore_mem>>)
      } else {
      }
      %scan3A_251 = arith.constant 0 : i32
      scf.yield %scan3A_251 : i32
    }
    %scan3A_182 = arith.constant 80 : i32
    %dma_wait3A = arith.constant 0 : i32
    %dma_wait3A_183 = arith.constant 0 : i32
    %dma_wait3A_184 = arith.constant 0 : i32
    %dma_wait3A_185 = tpu.memref_slice %arg8[%dma_wait3A, %dma_wait3A_183, %dma_wait3A_184] : memref<16x128x16xf32, #tpu.memory_space<vmem>> -> memref<1x128x16xf32, #tpu.memory_space<vmem>>
    %dma_wait3A_186 = tpu.memref_squeeze %dma_wait3A_185 : memref<1x128x16xf32, #tpu.memory_space<vmem>> -> memref<128x16xf32, #tpu.memory_space<vmem>>
    %dma_wait3A_187 = arith.constant 0 : i32
    %dma_wait3A_188 = arith.constant 0 : i32
    %dma_wait3A_189 = tpu.memref_slice %arg2[%dma_wait3A_187, %dma_wait3A_188] : memref<10000x16xf32, #tpu.memory_space<hbm>> -> memref<128x16xf32, #tpu.memory_space<hbm>>
    %dma_wait3A_190 = arith.constant 0 : i32
    %dma_wait3A_191 = arith.constant 0 : i32
    %dma_wait3A_192 = tpu.memref_slice %arg8[%dma_wait3A, %dma_wait3A_190, %dma_wait3A_191] : memref<16x128x16xf32, #tpu.memory_space<vmem>> -> memref<1x128x16xf32, #tpu.memory_space<vmem>>
    %dma_wait3A_193 = tpu.memref_squeeze %dma_wait3A_192 : memref<1x128x16xf32, #tpu.memory_space<vmem>> -> memref<128x16xf32, #tpu.memory_space<vmem>>
    %dma_wait3A_194 = arith.constant 0 : i32
    %dma_wait3A_195 = arith.constant 0 : i32
    %dma_wait3A_196 = tpu.memref_slice %arg2[%dma_wait3A_194, %dma_wait3A_195] : memref<10000x16xf32, #tpu.memory_space<hbm>> -> memref<128x16xf32, #tpu.memory_space<hbm>>
    tpu.wait_dma2 semaphore(%arg12 : memref<!tpu.dma_semaphore, #tpu.memory_space<semaphore_mem>>) src(%dma_wait3A_196 : memref<128x16xf32, #tpu.memory_space<hbm>>) dst(%dma_wait3A_193 : memref<128x16xf32, #tpu.memory_space<vmem>>)
    %dma_wait3A_197 = arith.constant 0 : i32
    %dma_wait3A_198 = arith.constant 0 : i32
    %dma_wait3A_199 = arith.constant 0 : i32
    %dma_wait3A_200 = tpu.memref_slice %arg8[%dma_wait3A_197, %dma_wait3A_198, %dma_wait3A_199] : memref<16x128x16xf32, #tpu.memory_space<vmem>> -> memref<1x128x16xf32, #tpu.memory_space<vmem>>
    %dma_wait3A_201 = tpu.memref_squeeze %dma_wait3A_200 : memref<1x128x16xf32, #tpu.memory_space<vmem>> -> memref<128x16xf32, #tpu.memory_space<vmem>>
    %dma_wait3A_202 = arith.constant 0 : i32
    %dma_wait3A_203 = arith.constant 0 : i32
    %dma_wait3A_204 = tpu.memref_slice %arg2[%dma_wait3A_202, %dma_wait3A_203] : memref<10000x16xf32, #tpu.memory_space<hbm>> -> memref<128x16xf32, #tpu.memory_space<hbm>>
    %dma_wait3A_205 = arith.constant 0 : i32
    %dma_wait3A_206 = arith.constant 0 : i32
    %dma_wait3A_207 = tpu.memref_slice %arg8[%dma_wait3A_197, %dma_wait3A_205, %dma_wait3A_206] : memref<16x128x16xf32, #tpu.memory_space<vmem>> -> memref<1x128x16xf32, #tpu.memory_space<vmem>>
    %dma_wait3A_208 = tpu.memref_squeeze %dma_wait3A_207 : memref<1x128x16xf32, #tpu.memory_space<vmem>> -> memref<128x16xf32, #tpu.memory_space<vmem>>
    %dma_wait3A_209 = arith.constant 0 : i32
    %dma_wait3A_210 = arith.constant 0 : i32
    %dma_wait3A_211 = tpu.memref_slice %arg2[%dma_wait3A_209, %dma_wait3A_210] : memref<10000x16xf32, #tpu.memory_space<hbm>> -> memref<128x16xf32, #tpu.memory_space<hbm>>
    tpu.wait_dma2 semaphore(%arg12 : memref<!tpu.dma_semaphore, #tpu.memory_space<semaphore_mem>>) src(%dma_wait3A_211 : memref<128x16xf32, #tpu.memory_space<hbm>>) dst(%dma_wait3A_208 : memref<128x16xf32, #tpu.memory_space<vmem>>)
    %barrier3A_212 = arith.constant 0 : index
    tpu.barrier barrier_id(%barrier3A_212)
    %mul3A_213 = arith.constant 625 : i32
    %mul3A_214 = arith.muli %arg1, %mul3A_213 : i32
    "tpu.region"() ({
      %run_scoped3A = tpu.sem_alloc : memref<!tpu.dma_semaphore, #tpu.memory_space<semaphore_mem>>
      %dma_start3A_215 = arith.constant 0 : i32
      %dma_start3A_216 = tpu.memref_slice %arg10[%mul3A_214, %dma_start3A_215] : memref<10512x16xf32, #tpu.memory_space<vmem_shared>> -> memref<625x16xf32, #tpu.memory_space<vmem_shared>>
      %dma_start3A_217 = arith.constant 0 : i32
      %dma_start3A_218 = tpu.memref_slice %arg10[%mul3A_214, %dma_start3A_217] : memref<10512x16xf32, #tpu.memory_space<vmem_shared>> -> memref<625x16xf32, #tpu.memory_space<vmem_shared>>
      tpu.enqueue_dma source(%dma_start3A_218 : memref<625x16xf32, #tpu.memory_space<vmem_shared>>) target(%arg9 : memref<625x16xf32, #tpu.memory_space<vmem>>) target_semaphore(%run_scoped3A : memref<!tpu.dma_semaphore, #tpu.memory_space<semaphore_mem>>)
      %dma_wait3A_219 = arith.constant 0 : i32
      %dma_wait3A_220 = tpu.memref_slice %arg10[%mul3A_214, %dma_wait3A_219] : memref<10512x16xf32, #tpu.memory_space<vmem_shared>> -> memref<625x16xf32, #tpu.memory_space<vmem_shared>>
      %dma_wait3A_221 = arith.constant 0 : i32
      %dma_wait3A_222 = tpu.memref_slice %arg10[%mul3A_214, %dma_wait3A_221] : memref<10512x16xf32, #tpu.memory_space<vmem_shared>> -> memref<625x16xf32, #tpu.memory_space<vmem_shared>>
      tpu.wait_dma2 semaphore(%run_scoped3A : memref<!tpu.dma_semaphore, #tpu.memory_space<semaphore_mem>>) src(%dma_wait3A_222 : memref<625x16xf32, #tpu.memory_space<vmem_shared>>) dst(%arg9 : memref<625x16xf32, #tpu.memory_space<vmem>>)
      tpu.yield
    }) : () -> ()
    "tpu.region"() ({
      %run_scoped3A = tpu.sem_alloc : memref<!tpu.dma_semaphore, #tpu.memory_space<semaphore_mem>>
      %dma_start3A_215 = arith.constant 0 : i32
      %dma_start3A_216 = arith.constant 0 : i32
      %dma_start3A_217 = tpu.memref_slice %arg5[%arg0, %arg1, %dma_start3A_215, %dma_start3A_216] : memref<2x16x625x16xf32, #tpu.memory_space<hbm>> -> memref<1x1x625x16xf32, #tpu.memory_space<hbm>>
      %dma_start3A_218 = tpu.memref_squeeze %dma_start3A_217 : memref<1x1x625x16xf32, #tpu.memory_space<hbm>> -> memref<625x16xf32, #tpu.memory_space<hbm>>
      %dma_start3A_219 = arith.constant 0 : i32
      %dma_start3A_220 = arith.constant 0 : i32
      %dma_start3A_221 = tpu.memref_slice %arg5[%arg0, %arg1, %dma_start3A_219, %dma_start3A_220] : memref<2x16x625x16xf32, #tpu.memory_space<hbm>> -> memref<1x1x625x16xf32, #tpu.memory_space<hbm>>
      %dma_start3A_222 = tpu.memref_squeeze %dma_start3A_221 : memref<1x1x625x16xf32, #tpu.memory_space<hbm>> -> memref<625x16xf32, #tpu.memory_space<hbm>>
      tpu.enqueue_dma source(%arg9 : memref<625x16xf32, #tpu.memory_space<vmem>>) target(%dma_start3A_222 : memref<625x16xf32, #tpu.memory_space<hbm>>) target_semaphore(%run_scoped3A : memref<!tpu.dma_semaphore, #tpu.memory_space<semaphore_mem>>)
      %dma_wait3A_223 = arith.constant 0 : i32
      %dma_wait3A_224 = arith.constant 0 : i32
      %dma_wait3A_225 = tpu.memref_slice %arg5[%arg0, %arg1, %dma_wait3A_223, %dma_wait3A_224] : memref<2x16x625x16xf32, #tpu.memory_space<hbm>> -> memref<1x1x625x16xf32, #tpu.memory_space<hbm>>
      %dma_wait3A_226 = tpu.memref_squeeze %dma_wait3A_225 : memref<1x1x625x16xf32, #tpu.memory_space<hbm>> -> memref<625x16xf32, #tpu.memory_space<hbm>>
      %dma_wait3A_227 = arith.constant 0 : i32
      %dma_wait3A_228 = arith.constant 0 : i32
      %dma_wait3A_229 = tpu.memref_slice %arg5[%arg0, %arg1, %dma_wait3A_227, %dma_wait3A_228] : memref<2x16x625x16xf32, #tpu.memory_space<hbm>> -> memref<1x1x625x16xf32, #tpu.memory_space<hbm>>
      %dma_wait3A_230 = tpu.memref_squeeze %dma_wait3A_229 : memref<1x1x625x16xf32, #tpu.memory_space<hbm>> -> memref<625x16xf32, #tpu.memory_space<hbm>>
      tpu.wait_dma2 semaphore(%run_scoped3A : memref<!tpu.dma_semaphore, #tpu.memory_space<semaphore_mem>>) src(%arg9 : memref<625x16xf32, #tpu.memory_space<vmem>>) dst(%dma_wait3A_230 : memref<625x16xf32, #tpu.memory_space<hbm>>)
      tpu.yield
    }) : () -> ()
    return
  }
}

#map = affine_map<(d0, d1) -> (0, 0)>
#map1 = affine_map<(d0, d1) -> (0, 0, 0)>
#map2 = affine_map<(d0, d1) -> (0, 0, 0, 0)>
module attributes {stable_mosaic.version = 14 : i64} {
  func.func @_sc_gs_body(%arg0: i32, %arg1: i32, %arg2: memref<10000x16xf32, #tpu.memory_space<hbm>>, %arg3: memref<32x80x128xi32, #tpu.memory_space<hbm>>, %arg4: memref<32x80x128xi32, #tpu.memory_space<hbm>>, %arg5: memref<2x16x625x16xf32, #tpu.memory_space<hbm>>, %arg6: memref<80x128xi32, #tpu.memory_space<vmem>>, %arg7: memref<80x128xi32, #tpu.memory_space<vmem>>, %arg8: memref<16x128x16xf32, #tpu.memory_space<vmem>>, %arg9: memref<625x16xf32, #tpu.memory_space<vmem>>, %arg10: memref<10512x16xf32, #tpu.memory_space<vmem_shared>>, %arg11: memref<!tpu.dma_semaphore, #tpu.memory_space<semaphore_mem>>, %arg12: memref<!tpu.dma_semaphore, #tpu.memory_space<semaphore_mem>>) attributes {dimension_semantics = [#tpu.dimension_semantics<core_parallel>, #tpu.dimension_semantics<subcore_parallel>], iteration_bounds = array<i64: 2, 16>, scalar_prefetch = 0 : i64, scratch_operands = 7 : i64, tpu.core_type = #tpu.core_type<sc_vector_subcore>, window_params = [{transform_indices = #map}, {transform_indices = #map1}, {transform_indices = #map1}, {transform_indices = #map2}]} {
    %mul3A = arith.constant 2 : i32
    %mul3A_0 = arith.muli %arg1, %mul3A : i32
    %add3A = arith.addi %mul3A_0, %arg0 : i32
    %scan3A = arith.constant 0 : i32
    %scan3A_1 = arith.constant 0 : i32
    %scan3A_2 = arith.constant 625 : i32
    %scan3A_3 = arith.addi %scan3A_1, %scan3A_2 : i32
    %scan3A_4 = arith.constant 1 : i32
    %scan3A_5 = scf.for %scan3A_215 = %scan3A_1 to %scan3A_3 step %scan3A_4 iter_args(%scan3A_216 = %scan3A) -> (i32)  : i32 {
      %broadcast_in_dim3A = arith.constant 0.000000e+00 : f32
      %broadcast_in_dim3A_217 = vector.broadcast %broadcast_in_dim3A : f32 to vector<16xf32>
      %swap3A = arith.index_cast %scan3A_215 : i32 to index
      %swap3A_218 = arith.constant 0 : index
      %swap3A_219 = tpu.vector_load %arg9[%swap3A, %swap3A_218] {strides = array<i32>} : memref<625x16xf32, #tpu.memory_space<vmem>>, vector<1x16xf32>,
      %swap3A_220 = vector.shape_cast %swap3A_219 : vector<1x16xf32> to vector<16xf32>
      %swap3A_221 = vector.shape_cast %broadcast_in_dim3A_217 : vector<16xf32> to vector<1x16xf32>
      tpu.vector_store %arg9[%swap3A, %swap3A_218], %swap3A_221 {strides = array<i32>} : memref<625x16xf32, #tpu.memory_space<vmem>>, vector<1x16xf32>,
      %scan3A_222 = arith.constant 0 : i32
      scf.yield %scan3A_222 : i32
    }
    %scan3A_6 = arith.constant 625 : i32
    %mul3A_7 = arith.constant 625 : i32
    %mul3A_8 = arith.muli %arg1, %mul3A_7 : i32
    "tpu.region"() ({
      %run_scoped3A = tpu.sem_alloc : memref<!tpu.dma_semaphore, #tpu.memory_space<semaphore_mem>>
      %dma_start3A_215 = arith.constant 0 : i32
      %dma_start3A_216 = tpu.memref_slice %arg10[%mul3A_8, %dma_start3A_215] : memref<10512x16xf32, #tpu.memory_space<vmem_shared>> -> memref<625x16xf32, #tpu.memory_space<vmem_shared>>
      %dma_start3A_217 = arith.constant 0 : i32
      %dma_start3A_218 = tpu.memref_slice %arg10[%mul3A_8, %dma_start3A_217] : memref<10512x16xf32, #tpu.memory_space<vmem_shared>> -> memref<625x16xf32, #tpu.memory_space<vmem_shared>>
      tpu.enqueue_dma source(%arg9 : memref<625x16xf32, #tpu.memory_space<vmem>>) target(%dma_start3A_218 : memref<625x16xf32, #tpu.memory_space<vmem_shared>>) target_semaphore(%run_scoped3A : memref<!tpu.dma_semaphore, #tpu.memory_space<semaphore_mem>>)
      %dma_wait3A_219 = arith.constant 0 : i32
      %dma_wait3A_220 = tpu.memref_slice %arg10[%mul3A_8, %dma_wait3A_219] : memref<10512x16xf32, #tpu.memory_space<vmem_shared>> -> memref<625x16xf32, #tpu.memory_space<vmem_shared>>
      %dma_wait3A_221 = arith.constant 0 : i32
      %dma_wait3A_222 = tpu.memref_slice %arg10[%mul3A_8, %dma_wait3A_221] : memref<10512x16xf32, #tpu.memory_space<vmem_shared>> -> memref<625x16xf32, #tpu.memory_space<vmem_shared>>
      tpu.wait_dma2 semaphore(%run_scoped3A : memref<!tpu.dma_semaphore, #tpu.memory_space<semaphore_mem>>) src(%arg9 : memref<625x16xf32, #tpu.memory_space<vmem>>) dst(%dma_wait3A_222 : memref<625x16xf32, #tpu.memory_space<vmem_shared>>)
      tpu.yield
    }) : () -> ()
    %barrier3A = arith.constant 0 : index
    tpu.barrier barrier_id(%barrier3A)
    "tpu.region"() ({
      %run_scoped3A = tpu.sem_alloc : memref<!tpu.dma_semaphore, #tpu.memory_space<semaphore_mem>>
      %dma_start3A_215 = arith.constant 0 : i32
      %dma_start3A_216 = arith.constant 0 : i32
      %dma_start3A_217 = tpu.memref_slice %arg3[%add3A, %dma_start3A_215, %dma_start3A_216] : memref<32x80x128xi32, #tpu.memory_space<hbm>> -> memref<1x80x128xi32, #tpu.memory_space<hbm>>
      %dma_start3A_218 = tpu.memref_squeeze %dma_start3A_217 : memref<1x80x128xi32, #tpu.memory_space<hbm>> -> memref<80x128xi32, #tpu.memory_space<hbm>>
      %dma_start3A_219 = arith.constant 0 : i32
      %dma_start3A_220 = arith.constant 0 : i32
      %dma_start3A_221 = tpu.memref_slice %arg3[%add3A, %dma_start3A_219, %dma_start3A_220] : memref<32x80x128xi32, #tpu.memory_space<hbm>> -> memref<1x80x128xi32, #tpu.memory_space<hbm>>
      %dma_start3A_222 = tpu.memref_squeeze %dma_start3A_221 : memref<1x80x128xi32, #tpu.memory_space<hbm>> -> memref<80x128xi32, #tpu.memory_space<hbm>>
      tpu.enqueue_dma source(%dma_start3A_222 : memref<80x128xi32, #tpu.memory_space<hbm>>) target(%arg6 : memref<80x128xi32, #tpu.memory_space<vmem>>) target_semaphore(%run_scoped3A : memref<!tpu.dma_semaphore, #tpu.memory_space<semaphore_mem>>)
      %dma_wait3A_223 = arith.constant 0 : i32
      %dma_wait3A_224 = arith.constant 0 : i32
      %dma_wait3A_225 = tpu.memref_slice %arg3[%add3A, %dma_wait3A_223, %dma_wait3A_224] : memref<32x80x128xi32, #tpu.memory_space<hbm>> -> memref<1x80x128xi32, #tpu.memory_space<hbm>>
      %dma_wait3A_226 = tpu.memref_squeeze %dma_wait3A_225 : memref<1x80x128xi32, #tpu.memory_space<hbm>> -> memref<80x128xi32, #tpu.memory_space<hbm>>
      %dma_wait3A_227 = arith.constant 0 : i32
      %dma_wait3A_228 = arith.constant 0 : i32
      %dma_wait3A_229 = tpu.memref_slice %arg3[%add3A, %dma_wait3A_227, %dma_wait3A_228] : memref<32x80x128xi32, #tpu.memory_space<hbm>> -> memref<1x80x128xi32, #tpu.memory_space<hbm>>
      %dma_wait3A_230 = tpu.memref_squeeze %dma_wait3A_229 : memref<1x80x128xi32, #tpu.memory_space<hbm>> -> memref<80x128xi32, #tpu.memory_space<hbm>>
      tpu.wait_dma2 semaphore(%run_scoped3A : memref<!tpu.dma_semaphore, #tpu.memory_space<semaphore_mem>>) src(%dma_wait3A_230 : memref<80x128xi32, #tpu.memory_space<hbm>>) dst(%arg6 : memref<80x128xi32, #tpu.memory_space<vmem>>)
      tpu.yield
    }) : () -> ()
    "tpu.region"() ({
      %run_scoped3A = tpu.sem_alloc : memref<!tpu.dma_semaphore, #tpu.memory_space<semaphore_mem>>
      %dma_start3A_215 = arith.constant 0 : i32
      %dma_start3A_216 = arith.constant 0 : i32
      %dma_start3A_217 = tpu.memref_slice %arg4[%add3A, %dma_start3A_215, %dma_start3A_216] : memref<32x80x128xi32, #tpu.memory_space<hbm>> -> memref<1x80x128xi32, #tpu.memory_space<hbm>>
      %dma_start3A_218 = tpu.memref_squeeze %dma_start3A_217 : memref<1x80x128xi32, #tpu.memory_space<hbm>> -> memref<80x128xi32, #tpu.memory_space<hbm>>
      %dma_start3A_219 = arith.constant 0 : i32
      %dma_start3A_220 = arith.constant 0 : i32
      %dma_start3A_221 = tpu.memref_slice %arg4[%add3A, %dma_start3A_219, %dma_start3A_220] : memref<32x80x128xi32, #tpu.memory_space<hbm>> -> memref<1x80x128xi32, #tpu.memory_space<hbm>>
      %dma_start3A_222 = tpu.memref_squeeze %dma_start3A_221 : memref<1x80x128xi32, #tpu.memory_space<hbm>> -> memref<80x128xi32, #tpu.memory_space<hbm>>
      tpu.enqueue_dma source(%dma_start3A_222 : memref<80x128xi32, #tpu.memory_space<hbm>>) target(%arg7 : memref<80x128xi32, #tpu.memory_space<vmem>>) target_semaphore(%run_scoped3A : memref<!tpu.dma_semaphore, #tpu.memory_space<semaphore_mem>>)
      %dma_wait3A_223 = arith.constant 0 : i32
      %dma_wait3A_224 = arith.constant 0 : i32
      %dma_wait3A_225 = tpu.memref_slice %arg4[%add3A, %dma_wait3A_223, %dma_wait3A_224] : memref<32x80x128xi32, #tpu.memory_space<hbm>> -> memref<1x80x128xi32, #tpu.memory_space<hbm>>
      %dma_wait3A_226 = tpu.memref_squeeze %dma_wait3A_225 : memref<1x80x128xi32, #tpu.memory_space<hbm>> -> memref<80x128xi32, #tpu.memory_space<hbm>>
      %dma_wait3A_227 = arith.constant 0 : i32
      %dma_wait3A_228 = arith.constant 0 : i32
      %dma_wait3A_229 = tpu.memref_slice %arg4[%add3A, %dma_wait3A_227, %dma_wait3A_228] : memref<32x80x128xi32, #tpu.memory_space<hbm>> -> memref<1x80x128xi32, #tpu.memory_space<hbm>>
      %dma_wait3A_230 = tpu.memref_squeeze %dma_wait3A_229 : memref<1x80x128xi32, #tpu.memory_space<hbm>> -> memref<80x128xi32, #tpu.memory_space<hbm>>
      tpu.wait_dma2 semaphore(%run_scoped3A : memref<!tpu.dma_semaphore, #tpu.memory_space<semaphore_mem>>) src(%dma_wait3A_230 : memref<80x128xi32, #tpu.memory_space<hbm>>) dst(%arg7 : memref<80x128xi32, #tpu.memory_space<vmem>>)
      tpu.yield
    }) : () -> ()
    %dma_start3A = arith.constant 0 : i32
    %dma_start3A_9 = arith.constant 0 : i32
    %dma_start3A_10 = arith.constant 0 : i32
    %dma_start3A_11 = arith.constant 0 : i32
    %dma_start3A_12 = tpu.memref_slice %arg8[%dma_start3A_9, %dma_start3A_10, %dma_start3A_11] : memref<16x128x16xf32, #tpu.memory_space<vmem>> -> memref<1x128x16xf32, #tpu.memory_space<vmem>>
    %dma_start3A_13 = tpu.memref_squeeze %dma_start3A_12 : memref<1x128x16xf32, #tpu.memory_space<vmem>> -> memref<128x16xf32, #tpu.memory_space<vmem>>
    %dma_start3A_14 = arith.constant 0 : i32
    %dma_start3A_15 = tpu.memref_slice %arg6[%dma_start3A, %dma_start3A_14] : memref<80x128xi32, #tpu.memory_space<vmem>> -> memref<1x128xi32, #tpu.memory_space<vmem>>
    %dma_start3A_16 = tpu.memref_squeeze %dma_start3A_15 : memref<1x128xi32, #tpu.memory_space<vmem>> -> memref<128xi32, #tpu.memory_space<vmem>>
    %dma_start3A_17 = arith.constant 0 : i32
    %dma_start3A_18 = arith.constant 0 : i32
    %dma_start3A_19 = tpu.memref_slice %arg2[%dma_start3A_17, %dma_start3A_18] : memref<10000x16xf32, #tpu.memory_space<hbm>> -> memref<10000x16xf32, #tpu.memory_space<hbm>>
    tpu.enqueue_indirect_dma source(%dma_start3A_19 : memref<10000x16xf32, #tpu.memory_space<hbm>>) target(%dma_start3A_13 : memref<128x16xf32, #tpu.memory_space<vmem>>) offsets(%dma_start3A_16 : memref<128xi32, #tpu.memory_space<vmem>>) semaphore(%arg11 : memref<!tpu.dma_semaphore, #tpu.memory_space<semaphore_mem>>)
    %dma_start3A_20 = arith.constant 1 : i32
    %dma_start3A_21 = arith.constant 1 : i32
    %dma_start3A_22 = arith.constant 0 : i32
    %dma_start3A_23 = arith.constant 0 : i32
    %dma_start3A_24 = tpu.memref_slice %arg8[%dma_start3A_21, %dma_start3A_22, %dma_start3A_23] : memref<16x128x16xf32, #tpu.memory_space<vmem>> -> memref<1x128x16xf32, #tpu.memory_space<vmem>>
    %dma_start3A_25 = tpu.memref_squeeze %dma_start3A_24 : memref<1x128x16xf32, #tpu.memory_space<vmem>> -> memref<128x16xf32, #tpu.memory_space<vmem>>
    %dma_start3A_26 = arith.constant 0 : i32
    %dma_start3A_27 = tpu.memref_slice %arg6[%dma_start3A_20, %dma_start3A_26] : memref<80x128xi32, #tpu.memory_space<vmem>> -> memref<1x128xi32, #tpu.memory_space<vmem>>
    %dma_start3A_28 = tpu.memref_squeeze %dma_start3A_27 : memref<1x128xi32, #tpu.memory_space<vmem>> -> memref<128xi32, #tpu.memory_space<vmem>>
    %dma_start3A_29 = arith.constant 0 : i32
    %dma_start3A_30 = arith.constant 0 : i32
    %dma_start3A_31 = tpu.memref_slice %arg2[%dma_start3A_29, %dma_start3A_30] : memref<10000x16xf32, #tpu.memory_space<hbm>> -> memref<10000x16xf32, #tpu.memory_space<hbm>>
    tpu.enqueue_indirect_dma source(%dma_start3A_31 : memref<10000x16xf32, #tpu.memory_space<hbm>>) target(%dma_start3A_25 : memref<128x16xf32, #tpu.memory_space<vmem>>) offsets(%dma_start3A_28 : memref<128xi32, #tpu.memory_space<vmem>>) semaphore(%arg11 : memref<!tpu.dma_semaphore, #tpu.memory_space<semaphore_mem>>)
    %dma_start3A_32 = arith.constant 2 : i32
    %dma_start3A_33 = arith.constant 2 : i32
    %dma_start3A_34 = arith.constant 0 : i32
    %dma_start3A_35 = arith.constant 0 : i32
    %dma_start3A_36 = tpu.memref_slice %arg8[%dma_start3A_33, %dma_start3A_34, %dma_start3A_35] : memref<16x128x16xf32, #tpu.memory_space<vmem>> -> memref<1x128x16xf32, #tpu.memory_space<vmem>>
    %dma_start3A_37 = tpu.memref_squeeze %dma_start3A_36 : memref<1x128x16xf32, #tpu.memory_space<vmem>> -> memref<128x16xf32, #tpu.memory_space<vmem>>
    %dma_start3A_38 = arith.constant 0 : i32
    %dma_start3A_39 = tpu.memref_slice %arg6[%dma_start3A_32, %dma_start3A_38] : memref<80x128xi32, #tpu.memory_space<vmem>> -> memref<1x128xi32, #tpu.memory_space<vmem>>
    %dma_start3A_40 = tpu.memref_squeeze %dma_start3A_39 : memref<1x128xi32, #tpu.memory_space<vmem>> -> memref<128xi32, #tpu.memory_space<vmem>>
    %dma_start3A_41 = arith.constant 0 : i32
    %dma_start3A_42 = arith.constant 0 : i32
    %dma_start3A_43 = tpu.memref_slice %arg2[%dma_start3A_41, %dma_start3A_42] : memref<10000x16xf32, #tpu.memory_space<hbm>> -> memref<10000x16xf32, #tpu.memory_space<hbm>>
    tpu.enqueue_indirect_dma source(%dma_start3A_43 : memref<10000x16xf32, #tpu.memory_space<hbm>>) target(%dma_start3A_37 : memref<128x16xf32, #tpu.memory_space<vmem>>) offsets(%dma_start3A_40 : memref<128xi32, #tpu.memory_space<vmem>>) semaphore(%arg11 : memref<!tpu.dma_semaphore, #tpu.memory_space<semaphore_mem>>)
    %dma_start3A_44 = arith.constant 3 : i32
    %dma_start3A_45 = arith.constant 3 : i32
    %dma_start3A_46 = arith.constant 0 : i32
    %dma_start3A_47 = arith.constant 0 : i32
    %dma_start3A_48 = tpu.memref_slice %arg8[%dma_start3A_45, %dma_start3A_46, %dma_start3A_47] : memref<16x128x16xf32, #tpu.memory_space<vmem>> -> memref<1x128x16xf32, #tpu.memory_space<vmem>>
    %dma_start3A_49 = tpu.memref_squeeze %dma_start3A_48 : memref<1x128x16xf32, #tpu.memory_space<vmem>> -> memref<128x16xf32, #tpu.memory_space<vmem>>
    %dma_start3A_50 = arith.constant 0 : i32
    %dma_start3A_51 = tpu.memref_slice %arg6[%dma_start3A_44, %dma_start3A_50] : memref<80x128xi32, #tpu.memory_space<vmem>> -> memref<1x128xi32, #tpu.memory_space<vmem>>
    %dma_start3A_52 = tpu.memref_squeeze %dma_start3A_51 : memref<1x128xi32, #tpu.memory_space<vmem>> -> memref<128xi32, #tpu.memory_space<vmem>>
    %dma_start3A_53 = arith.constant 0 : i32
    %dma_start3A_54 = arith.constant 0 : i32
    %dma_start3A_55 = tpu.memref_slice %arg2[%dma_start3A_53, %dma_start3A_54] : memref<10000x16xf32, #tpu.memory_space<hbm>> -> memref<10000x16xf32, #tpu.memory_space<hbm>>
    tpu.enqueue_indirect_dma source(%dma_start3A_55 : memref<10000x16xf32, #tpu.memory_space<hbm>>) target(%dma_start3A_49 : memref<128x16xf32, #tpu.memory_space<vmem>>) offsets(%dma_start3A_52 : memref<128xi32, #tpu.memory_space<vmem>>) semaphore(%arg11 : memref<!tpu.dma_semaphore, #tpu.memory_space<semaphore_mem>>)
    %dma_start3A_56 = arith.constant 4 : i32
    %dma_start3A_57 = arith.constant 4 : i32
    %dma_start3A_58 = arith.constant 0 : i32
    %dma_start3A_59 = arith.constant 0 : i32
    %dma_start3A_60 = tpu.memref_slice %arg8[%dma_start3A_57, %dma_start3A_58, %dma_start3A_59] : memref<16x128x16xf32, #tpu.memory_space<vmem>> -> memref<1x128x16xf32, #tpu.memory_space<vmem>>
    %dma_start3A_61 = tpu.memref_squeeze %dma_start3A_60 : memref<1x128x16xf32, #tpu.memory_space<vmem>> -> memref<128x16xf32, #tpu.memory_space<vmem>>
    %dma_start3A_62 = arith.constant 0 : i32
    %dma_start3A_63 = tpu.memref_slice %arg6[%dma_start3A_56, %dma_start3A_62] : memref<80x128xi32, #tpu.memory_space<vmem>> -> memref<1x128xi32, #tpu.memory_space<vmem>>
    %dma_start3A_64 = tpu.memref_squeeze %dma_start3A_63 : memref<1x128xi32, #tpu.memory_space<vmem>> -> memref<128xi32, #tpu.memory_space<vmem>>
    %dma_start3A_65 = arith.constant 0 : i32
    %dma_start3A_66 = arith.constant 0 : i32
    %dma_start3A_67 = tpu.memref_slice %arg2[%dma_start3A_65, %dma_start3A_66] : memref<10000x16xf32, #tpu.memory_space<hbm>> -> memref<10000x16xf32, #tpu.memory_space<hbm>>
    tpu.enqueue_indirect_dma source(%dma_start3A_67 : memref<10000x16xf32, #tpu.memory_space<hbm>>) target(%dma_start3A_61 : memref<128x16xf32, #tpu.memory_space<vmem>>) offsets(%dma_start3A_64 : memref<128xi32, #tpu.memory_space<vmem>>) semaphore(%arg11 : memref<!tpu.dma_semaphore, #tpu.memory_space<semaphore_mem>>)
    %dma_start3A_68 = arith.constant 5 : i32
    %dma_start3A_69 = arith.constant 5 : i32
    %dma_start3A_70 = arith.constant 0 : i32
    %dma_start3A_71 = arith.constant 0 : i32
    %dma_start3A_72 = tpu.memref_slice %arg8[%dma_start3A_69, %dma_start3A_70, %dma_start3A_71] : memref<16x128x16xf32, #tpu.memory_space<vmem>> -> memref<1x128x16xf32, #tpu.memory_space<vmem>>
    %dma_start3A_73 = tpu.memref_squeeze %dma_start3A_72 : memref<1x128x16xf32, #tpu.memory_space<vmem>> -> memref<128x16xf32, #tpu.memory_space<vmem>>
    %dma_start3A_74 = arith.constant 0 : i32
    %dma_start3A_75 = tpu.memref_slice %arg6[%dma_start3A_68, %dma_start3A_74] : memref<80x128xi32, #tpu.memory_space<vmem>> -> memref<1x128xi32, #tpu.memory_space<vmem>>
    %dma_start3A_76 = tpu.memref_squeeze %dma_start3A_75 : memref<1x128xi32, #tpu.memory_space<vmem>> -> memref<128xi32, #tpu.memory_space<vmem>>
    %dma_start3A_77 = arith.constant 0 : i32
    %dma_start3A_78 = arith.constant 0 : i32
    %dma_start3A_79 = tpu.memref_slice %arg2[%dma_start3A_77, %dma_start3A_78] : memref<10000x16xf32, #tpu.memory_space<hbm>> -> memref<10000x16xf32, #tpu.memory_space<hbm>>
    tpu.enqueue_indirect_dma source(%dma_start3A_79 : memref<10000x16xf32, #tpu.memory_space<hbm>>) target(%dma_start3A_73 : memref<128x16xf32, #tpu.memory_space<vmem>>) offsets(%dma_start3A_76 : memref<128xi32, #tpu.memory_space<vmem>>) semaphore(%arg11 : memref<!tpu.dma_semaphore, #tpu.memory_space<semaphore_mem>>)
    %dma_start3A_80 = arith.constant 6 : i32
    %dma_start3A_81 = arith.constant 6 : i32
    %dma_start3A_82 = arith.constant 0 : i32
    %dma_start3A_83 = arith.constant 0 : i32
    %dma_start3A_84 = tpu.memref_slice %arg8[%dma_start3A_81, %dma_start3A_82, %dma_start3A_83] : memref<16x128x16xf32, #tpu.memory_space<vmem>> -> memref<1x128x16xf32, #tpu.memory_space<vmem>>
    %dma_start3A_85 = tpu.memref_squeeze %dma_start3A_84 : memref<1x128x16xf32, #tpu.memory_space<vmem>> -> memref<128x16xf32, #tpu.memory_space<vmem>>
    %dma_start3A_86 = arith.constant 0 : i32
    %dma_start3A_87 = tpu.memref_slice %arg6[%dma_start3A_80, %dma_start3A_86] : memref<80x128xi32, #tpu.memory_space<vmem>> -> memref<1x128xi32, #tpu.memory_space<vmem>>
    %dma_start3A_88 = tpu.memref_squeeze %dma_start3A_87 : memref<1x128xi32, #tpu.memory_space<vmem>> -> memref<128xi32, #tpu.memory_space<vmem>>
    %dma_start3A_89 = arith.constant 0 : i32
    %dma_start3A_90 = arith.constant 0 : i32
    %dma_start3A_91 = tpu.memref_slice %arg2[%dma_start3A_89, %dma_start3A_90] : memref<10000x16xf32, #tpu.memory_space<hbm>> -> memref<10000x16xf32, #tpu.memory_space<hbm>>
    tpu.enqueue_indirect_dma source(%dma_start3A_91 : memref<10000x16xf32, #tpu.memory_space<hbm>>) target(%dma_start3A_85 : memref<128x16xf32, #tpu.memory_space<vmem>>) offsets(%dma_start3A_88 : memref<128xi32, #tpu.memory_space<vmem>>) semaphore(%arg11 : memref<!tpu.dma_semaphore, #tpu.memory_space<semaphore_mem>>)
    %dma_start3A_92 = arith.constant 7 : i32
    %dma_start3A_93 = arith.constant 7 : i32
    %dma_start3A_94 = arith.constant 0 : i32
    %dma_start3A_95 = arith.constant 0 : i32
    %dma_start3A_96 = tpu.memref_slice %arg8[%dma_start3A_93, %dma_start3A_94, %dma_start3A_95] : memref<16x128x16xf32, #tpu.memory_space<vmem>> -> memref<1x128x16xf32, #tpu.memory_space<vmem>>
    %dma_start3A_97 = tpu.memref_squeeze %dma_start3A_96 : memref<1x128x16xf32, #tpu.memory_space<vmem>> -> memref<128x16xf32, #tpu.memory_space<vmem>>
    %dma_start3A_98 = arith.constant 0 : i32
    %dma_start3A_99 = tpu.memref_slice %arg6[%dma_start3A_92, %dma_start3A_98] : memref<80x128xi32, #tpu.memory_space<vmem>> -> memref<1x128xi32, #tpu.memory_space<vmem>>
    %dma_start3A_100 = tpu.memref_squeeze %dma_start3A_99 : memref<1x128xi32, #tpu.memory_space<vmem>> -> memref<128xi32, #tpu.memory_space<vmem>>
    %dma_start3A_101 = arith.constant 0 : i32
    %dma_start3A_102 = arith.constant 0 : i32
    %dma_start3A_103 = tpu.memref_slice %arg2[%dma_start3A_101, %dma_start3A_102] : memref<10000x16xf32, #tpu.memory_space<hbm>> -> memref<10000x16xf32, #tpu.memory_space<hbm>>
    tpu.enqueue_indirect_dma source(%dma_start3A_103 : memref<10000x16xf32, #tpu.memory_space<hbm>>) target(%dma_start3A_97 : memref<128x16xf32, #tpu.memory_space<vmem>>) offsets(%dma_start3A_100 : memref<128xi32, #tpu.memory_space<vmem>>) semaphore(%arg11 : memref<!tpu.dma_semaphore, #tpu.memory_space<semaphore_mem>>)
    %dma_start3A_104 = arith.constant 8 : i32
    %dma_start3A_105 = arith.constant 8 : i32
    %dma_start3A_106 = arith.constant 0 : i32
    %dma_start3A_107 = arith.constant 0 : i32
    %dma_start3A_108 = tpu.memref_slice %arg8[%dma_start3A_105, %dma_start3A_106, %dma_start3A_107] : memref<16x128x16xf32, #tpu.memory_space<vmem>> -> memref<1x128x16xf32, #tpu.memory_space<vmem>>
    %dma_start3A_109 = tpu.memref_squeeze %dma_start3A_108 : memref<1x128x16xf32, #tpu.memory_space<vmem>> -> memref<128x16xf32, #tpu.memory_space<vmem>>
    %dma_start3A_110 = arith.constant 0 : i32
    %dma_start3A_111 = tpu.memref_slice %arg6[%dma_start3A_104, %dma_start3A_110] : memref<80x128xi32, #tpu.memory_space<vmem>> -> memref<1x128xi32, #tpu.memory_space<vmem>>
    %dma_start3A_112 = tpu.memref_squeeze %dma_start3A_111 : memref<1x128xi32, #tpu.memory_space<vmem>> -> memref<128xi32, #tpu.memory_space<vmem>>
    %dma_start3A_113 = arith.constant 0 : i32
    %dma_start3A_114 = arith.constant 0 : i32
    %dma_start3A_115 = tpu.memref_slice %arg2[%dma_start3A_113, %dma_start3A_114] : memref<10000x16xf32, #tpu.memory_space<hbm>> -> memref<10000x16xf32, #tpu.memory_space<hbm>>
    tpu.enqueue_indirect_dma source(%dma_start3A_115 : memref<10000x16xf32, #tpu.memory_space<hbm>>) target(%dma_start3A_109 : memref<128x16xf32, #tpu.memory_space<vmem>>) offsets(%dma_start3A_112 : memref<128xi32, #tpu.memory_space<vmem>>) semaphore(%arg11 : memref<!tpu.dma_semaphore, #tpu.memory_space<semaphore_mem>>)
    %dma_start3A_116 = arith.constant 9 : i32
    %dma_start3A_117 = arith.constant 9 : i32
    %dma_start3A_118 = arith.constant 0 : i32
    %dma_start3A_119 = arith.constant 0 : i32
    %dma_start3A_120 = tpu.memref_slice %arg8[%dma_start3A_117, %dma_start3A_118, %dma_start3A_119] : memref<16x128x16xf32, #tpu.memory_space<vmem>> -> memref<1x128x16xf32, #tpu.memory_space<vmem>>
    %dma_start3A_121 = tpu.memref_squeeze %dma_start3A_120 : memref<1x128x16xf32, #tpu.memory_space<vmem>> -> memref<128x16xf32, #tpu.memory_space<vmem>>
    %dma_start3A_122 = arith.constant 0 : i32
    %dma_start3A_123 = tpu.memref_slice %arg6[%dma_start3A_116, %dma_start3A_122] : memref<80x128xi32, #tpu.memory_space<vmem>> -> memref<1x128xi32, #tpu.memory_space<vmem>>
    %dma_start3A_124 = tpu.memref_squeeze %dma_start3A_123 : memref<1x128xi32, #tpu.memory_space<vmem>> -> memref<128xi32, #tpu.memory_space<vmem>>
    %dma_start3A_125 = arith.constant 0 : i32
    %dma_start3A_126 = arith.constant 0 : i32
    %dma_start3A_127 = tpu.memref_slice %arg2[%dma_start3A_125, %dma_start3A_126] : memref<10000x16xf32, #tpu.memory_space<hbm>> -> memref<10000x16xf32, #tpu.memory_space<hbm>>
    tpu.enqueue_indirect_dma source(%dma_start3A_127 : memref<10000x16xf32, #tpu.memory_space<hbm>>) target(%dma_start3A_121 : memref<128x16xf32, #tpu.memory_space<vmem>>) offsets(%dma_start3A_124 : memref<128xi32, #tpu.memory_space<vmem>>) semaphore(%arg11 : memref<!tpu.dma_semaphore, #tpu.memory_space<semaphore_mem>>)
    %dma_start3A_128 = arith.constant 10 : i32
    %dma_start3A_129 = arith.constant 10 : i32
    %dma_start3A_130 = arith.constant 0 : i32
    %dma_start3A_131 = arith.constant 0 : i32
    %dma_start3A_132 = tpu.memref_slice %arg8[%dma_start3A_129, %dma_start3A_130, %dma_start3A_131] : memref<16x128x16xf32, #tpu.memory_space<vmem>> -> memref<1x128x16xf32, #tpu.memory_space<vmem>>
    %dma_start3A_133 = tpu.memref_squeeze %dma_start3A_132 : memref<1x128x16xf32, #tpu.memory_space<vmem>> -> memref<128x16xf32, #tpu.memory_space<vmem>>
    %dma_start3A_134 = arith.constant 0 : i32
    %dma_start3A_135 = tpu.memref_slice %arg6[%dma_start3A_128, %dma_start3A_134] : memref<80x128xi32, #tpu.memory_space<vmem>> -> memref<1x128xi32, #tpu.memory_space<vmem>>
    %dma_start3A_136 = tpu.memref_squeeze %dma_start3A_135 : memref<1x128xi32, #tpu.memory_space<vmem>> -> memref<128xi32, #tpu.memory_space<vmem>>
    %dma_start3A_137 = arith.constant 0 : i32
    %dma_start3A_138 = arith.constant 0 : i32
    %dma_start3A_139 = tpu.memref_slice %arg2[%dma_start3A_137, %dma_start3A_138] : memref<10000x16xf32, #tpu.memory_space<hbm>> -> memref<10000x16xf32, #tpu.memory_space<hbm>>
    tpu.enqueue_indirect_dma source(%dma_start3A_139 : memref<10000x16xf32, #tpu.memory_space<hbm>>) target(%dma_start3A_133 : memref<128x16xf32, #tpu.memory_space<vmem>>) offsets(%dma_start3A_136 : memref<128xi32, #tpu.memory_space<vmem>>) semaphore(%arg11 : memref<!tpu.dma_semaphore, #tpu.memory_space<semaphore_mem>>)
    %dma_start3A_140 = arith.constant 11 : i32
    %dma_start3A_141 = arith.constant 11 : i32
    %dma_start3A_142 = arith.constant 0 : i32
    %dma_start3A_143 = arith.constant 0 : i32
    %dma_start3A_144 = tpu.memref_slice %arg8[%dma_start3A_141, %dma_start3A_142, %dma_start3A_143] : memref<16x128x16xf32, #tpu.memory_space<vmem>> -> memref<1x128x16xf32, #tpu.memory_space<vmem>>
    %dma_start3A_145 = tpu.memref_squeeze %dma_start3A_144 : memref<1x128x16xf32, #tpu.memory_space<vmem>> -> memref<128x16xf32, #tpu.memory_space<vmem>>
    %dma_start3A_146 = arith.constant 0 : i32
    %dma_start3A_147 = tpu.memref_slice %arg6[%dma_start3A_140, %dma_start3A_146] : memref<80x128xi32, #tpu.memory_space<vmem>> -> memref<1x128xi32, #tpu.memory_space<vmem>>
    %dma_start3A_148 = tpu.memref_squeeze %dma_start3A_147 : memref<1x128xi32, #tpu.memory_space<vmem>> -> memref<128xi32, #tpu.memory_space<vmem>>
    %dma_start3A_149 = arith.constant 0 : i32
    %dma_start3A_150 = arith.constant 0 : i32
    %dma_start3A_151 = tpu.memref_slice %arg2[%dma_start3A_149, %dma_start3A_150] : memref<10000x16xf32, #tpu.memory_space<hbm>> -> memref<10000x16xf32, #tpu.memory_space<hbm>>
    tpu.enqueue_indirect_dma source(%dma_start3A_151 : memref<10000x16xf32, #tpu.memory_space<hbm>>) target(%dma_start3A_145 : memref<128x16xf32, #tpu.memory_space<vmem>>) offsets(%dma_start3A_148 : memref<128xi32, #tpu.memory_space<vmem>>) semaphore(%arg11 : memref<!tpu.dma_semaphore, #tpu.memory_space<semaphore_mem>>)
    %dma_start3A_152 = arith.constant 12 : i32
    %dma_start3A_153 = arith.constant 12 : i32
    %dma_start3A_154 = arith.constant 0 : i32
    %dma_start3A_155 = arith.constant 0 : i32
    %dma_start3A_156 = tpu.memref_slice %arg8[%dma_start3A_153, %dma_start3A_154, %dma_start3A_155] : memref<16x128x16xf32, #tpu.memory_space<vmem>> -> memref<1x128x16xf32, #tpu.memory_space<vmem>>
    %dma_start3A_157 = tpu.memref_squeeze %dma_start3A_156 : memref<1x128x16xf32, #tpu.memory_space<vmem>> -> memref<128x16xf32, #tpu.memory_space<vmem>>
    %dma_start3A_158 = arith.constant 0 : i32
    %dma_start3A_159 = tpu.memref_slice %arg6[%dma_start3A_152, %dma_start3A_158] : memref<80x128xi32, #tpu.memory_space<vmem>> -> memref<1x128xi32, #tpu.memory_space<vmem>>
    %dma_start3A_160 = tpu.memref_squeeze %dma_start3A_159 : memref<1x128xi32, #tpu.memory_space<vmem>> -> memref<128xi32, #tpu.memory_space<vmem>>
    %dma_start3A_161 = arith.constant 0 : i32
    %dma_start3A_162 = arith.constant 0 : i32
    %dma_start3A_163 = tpu.memref_slice %arg2[%dma_start3A_161, %dma_start3A_162] : memref<10000x16xf32, #tpu.memory_space<hbm>> -> memref<10000x16xf32, #tpu.memory_space<hbm>>
    tpu.enqueue_indirect_dma source(%dma_start3A_163 : memref<10000x16xf32, #tpu.memory_space<hbm>>) target(%dma_start3A_157 : memref<128x16xf32, #tpu.memory_space<vmem>>) offsets(%dma_start3A_160 : memref<128xi32, #tpu.memory_space<vmem>>) semaphore(%arg11 : memref<!tpu.dma_semaphore, #tpu.memory_space<semaphore_mem>>)
    %dma_start3A_164 = arith.constant 13 : i32
    %dma_start3A_165 = arith.constant 13 : i32
    %dma_start3A_166 = arith.constant 0 : i32
    %dma_start3A_167 = arith.constant 0 : i32
    %dma_start3A_168 = tpu.memref_slice %arg8[%dma_start3A_165, %dma_start3A_166, %dma_start3A_167] : memref<16x128x16xf32, #tpu.memory_space<vmem>> -> memref<1x128x16xf32, #tpu.memory_space<vmem>>
    %dma_start3A_169 = tpu.memref_squeeze %dma_start3A_168 : memref<1x128x16xf32, #tpu.memory_space<vmem>> -> memref<128x16xf32, #tpu.memory_space<vmem>>
    %dma_start3A_170 = arith.constant 0 : i32
    %dma_start3A_171 = tpu.memref_slice %arg6[%dma_start3A_164, %dma_start3A_170] : memref<80x128xi32, #tpu.memory_space<vmem>> -> memref<1x128xi32, #tpu.memory_space<vmem>>
    %dma_start3A_172 = tpu.memref_squeeze %dma_start3A_171 : memref<1x128xi32, #tpu.memory_space<vmem>> -> memref<128xi32, #tpu.memory_space<vmem>>
    %dma_start3A_173 = arith.constant 0 : i32
    %dma_start3A_174 = arith.constant 0 : i32
    %dma_start3A_175 = tpu.memref_slice %arg2[%dma_start3A_173, %dma_start3A_174] : memref<10000x16xf32, #tpu.memory_space<hbm>> -> memref<10000x16xf32, #tpu.memory_space<hbm>>
    tpu.enqueue_indirect_dma source(%dma_start3A_175 : memref<10000x16xf32, #tpu.memory_space<hbm>>) target(%dma_start3A_169 : memref<128x16xf32, #tpu.memory_space<vmem>>) offsets(%dma_start3A_172 : memref<128xi32, #tpu.memory_space<vmem>>) semaphore(%arg11 : memref<!tpu.dma_semaphore, #tpu.memory_space<semaphore_mem>>)
    %scan3A_176 = arith.constant 0 : i32
    %scan3A_177 = arith.constant 0 : i32
    %scan3A_178 = arith.constant 80 : i32
    %scan3A_179 = arith.addi %scan3A_177, %scan3A_178 : i32
    %scan3A_180 = arith.constant 1 : i32
    %scan3A_181 = scf.for %scan3A_215 = %scan3A_177 to %scan3A_179 step %scan3A_180 iter_args(%scan3A_216 = %scan3A_176) -> (i32)  : i32 {
      %rem3A = arith.constant 16 : i32
      %rem3A_217 = arith.remsi %scan3A_215, %rem3A : i32
      %dma_wait3A_218 = arith.constant 0 : i32
      %dma_wait3A_219 = arith.constant 0 : i32
      %dma_wait3A_220 = tpu.memref_slice %arg8[%rem3A_217, %dma_wait3A_218, %dma_wait3A_219] : memref<16x128x16xf32, #tpu.memory_space<vmem>> -> memref<1x128x16xf32, #tpu.memory_space<vmem>>
      %dma_wait3A_221 = tpu.memref_squeeze %dma_wait3A_220 : memref<1x128x16xf32, #tpu.memory_space<vmem>> -> memref<128x16xf32, #tpu.memory_space<vmem>>
      %dma_wait3A_222 = arith.constant 0 : i32
      %dma_wait3A_223 = arith.constant 0 : i32
      %dma_wait3A_224 = tpu.memref_slice %arg2[%dma_wait3A_222, %dma_wait3A_223] : memref<10000x16xf32, #tpu.memory_space<hbm>> -> memref<128x16xf32, #tpu.memory_space<hbm>>
      %dma_wait3A_225 = arith.constant 0 : i32
      %dma_wait3A_226 = arith.constant 0 : i32
      %dma_wait3A_227 = tpu.memref_slice %arg8[%rem3A_217, %dma_wait3A_225, %dma_wait3A_226] : memref<16x128x16xf32, #tpu.memory_space<vmem>> -> memref<1x128x16xf32, #tpu.memory_space<vmem>>
      %dma_wait3A_228 = tpu.memref_squeeze %dma_wait3A_227 : memref<1x128x16xf32, #tpu.memory_space<vmem>> -> memref<128x16xf32, #tpu.memory_space<vmem>>
      %dma_wait3A_229 = arith.constant 0 : i32
      %dma_wait3A_230 = arith.constant 0 : i32
      %dma_wait3A_231 = tpu.memref_slice %arg2[%dma_wait3A_229, %dma_wait3A_230] : memref<10000x16xf32, #tpu.memory_space<hbm>> -> memref<128x16xf32, #tpu.memory_space<hbm>>
      tpu.wait_dma2 semaphore(%arg11 : memref<!tpu.dma_semaphore, #tpu.memory_space<semaphore_mem>>) src(%dma_wait3A_231 : memref<128x16xf32, #tpu.memory_space<hbm>>) dst(%dma_wait3A_228 : memref<128x16xf32, #tpu.memory_space<vmem>>)
      %dma_start3A_232 = arith.constant 0 : i32
      %dma_start3A_233 = arith.constant 0 : i32
      %dma_start3A_234 = tpu.memref_slice %arg8[%rem3A_217, %dma_start3A_232, %dma_start3A_233] : memref<16x128x16xf32, #tpu.memory_space<vmem>> -> memref<1x128x16xf32, #tpu.memory_space<vmem>>
      %dma_start3A_235 = tpu.memref_squeeze %dma_start3A_234 : memref<1x128x16xf32, #tpu.memory_space<vmem>> -> memref<128x16xf32, #tpu.memory_space<vmem>>
      %dma_start3A_236 = arith.constant 0 : i32
      %dma_start3A_237 = tpu.memref_slice %arg7[%scan3A_215, %dma_start3A_236] : memref<80x128xi32, #tpu.memory_space<vmem>> -> memref<1x128xi32, #tpu.memory_space<vmem>>
      %dma_start3A_238 = tpu.memref_squeeze %dma_start3A_237 : memref<1x128xi32, #tpu.memory_space<vmem>> -> memref<128xi32, #tpu.memory_space<vmem>>
      %dma_start3A_239 = arith.constant 0 : i32
      %dma_start3A_240 = arith.constant 0 : i32
      %dma_start3A_241 = tpu.memref_slice %arg10[%dma_start3A_239, %dma_start3A_240] : memref<10512x16xf32, #tpu.memory_space<vmem_shared>> -> memref<10512x16xf32, #tpu.memory_space<vmem_shared>>
      tpu.enqueue_indirect_dma source(%dma_start3A_235 : memref<128x16xf32, #tpu.memory_space<vmem>>) target(%dma_start3A_241 : memref<10512x16xf32, #tpu.memory_space<vmem_shared>>) offsets(%dma_start3A_238 : memref<128xi32, #tpu.memory_space<vmem>>) semaphore(%arg12 : memref<!tpu.dma_semaphore, #tpu.memory_space<semaphore_mem>>) {add = true}
      %ge3A = arith.constant 2 : i32
      %ge3A_242 = arith.cmpi sge, %scan3A_215, %ge3A : i32
      %convert_element_type3A = arith.extui %ge3A_242 : i1 to i32
      %cond3A = arith.constant 0 : i32
      %cond3A_243 = arith.cmpi ne, %convert_element_type3A, %cond3A : i32
      scf.if %cond3A_243 {
        %dma_wait3A_252 = arith.constant 0 : i32
        %dma_wait3A_253 = arith.constant 0 : i32
        %dma_wait3A_254 = arith.constant 0 : i32
        %dma_wait3A_255 = tpu.memref_slice %arg8[%dma_wait3A_252, %dma_wait3A_253, %dma_wait3A_254] : memref<16x128x16xf32, #tpu.memory_space<vmem>> -> memref<1x128x16xf32, #tpu.memory_space<vmem>>
        %dma_wait3A_256 = tpu.memref_squeeze %dma_wait3A_255 : memref<1x128x16xf32, #tpu.memory_space<vmem>> -> memref<128x16xf32, #tpu.memory_space<vmem>>
        %dma_wait3A_257 = arith.constant 0 : i32
        %dma_wait3A_258 = arith.constant 0 : i32
        %dma_wait3A_259 = tpu.memref_slice %arg2[%dma_wait3A_257, %dma_wait3A_258] : memref<10000x16xf32, #tpu.memory_space<hbm>> -> memref<128x16xf32, #tpu.memory_space<hbm>>
        %dma_wait3A_260 = arith.constant 0 : i32
        %dma_wait3A_261 = arith.constant 0 : i32
        %dma_wait3A_262 = tpu.memref_slice %arg8[%dma_wait3A_252, %dma_wait3A_260, %dma_wait3A_261] : memref<16x128x16xf32, #tpu.memory_space<vmem>> -> memref<1x128x16xf32, #tpu.memory_space<vmem>>
        %dma_wait3A_263 = tpu.memref_squeeze %dma_wait3A_262 : memref<1x128x16xf32, #tpu.memory_space<vmem>> -> memref<128x16xf32, #tpu.memory_space<vmem>>
        %dma_wait3A_264 = arith.constant 0 : i32
        %dma_wait3A_265 = arith.constant 0 : i32
        %dma_wait3A_266 = tpu.memref_slice %arg2[%dma_wait3A_264, %dma_wait3A_265] : memref<10000x16xf32, #tpu.memory_space<hbm>> -> memref<128x16xf32, #tpu.memory_space<hbm>>
        tpu.wait_dma2 semaphore(%arg12 : memref<!tpu.dma_semaphore, #tpu.memory_space<semaphore_mem>>) src(%dma_wait3A_266 : memref<128x16xf32, #tpu.memory_space<hbm>>) dst(%dma_wait3A_263 : memref<128x16xf32, #tpu.memory_space<vmem>>)
      } else {
      }
      %add3A_244 = arith.constant 16 : i32
      %add3A_245 = arith.addi %scan3A_215, %add3A_244 : i32
      %sub3A = arith.constant 2 : i32
      %sub3A_246 = arith.subi %add3A_245, %sub3A : i32
      %lt3A = arith.constant 80 : i32
      %lt3A_247 = arith.cmpi slt, %sub3A_246, %lt3A : i32
      %convert_element_type3A_248 = arith.extui %lt3A_247 : i1 to i32
      %cond3A_249 = arith.constant 0 : i32
      %cond3A_250 = arith.cmpi ne, %convert_element_type3A_248, %cond3A_249 : i32
      scf.if %cond3A_250 {
        %rem3A_252 = arith.constant 16 : i32
        %rem3A_253 = arith.remsi %sub3A_246, %rem3A_252 : i32
        %dma_start3A_254 = arith.constant 0 : i32
        %dma_start3A_255 = arith.constant 0 : i32
        %dma_start3A_256 = tpu.memref_slice %arg8[%rem3A_253, %dma_start3A_254, %dma_start3A_255] : memref<16x128x16xf32, #tpu.memory_space<vmem>> -> memref<1x128x16xf32, #tpu.memory_space<vmem>>
        %dma_start3A_257 = tpu.memref_squeeze %dma_start3A_256 : memref<1x128x16xf32, #tpu.memory_space<vmem>> -> memref<128x16xf32, #tpu.memory_space<vmem>>
        %dma_start3A_258 = arith.constant 0 : i32
        %dma_start3A_259 = tpu.memref_slice %arg6[%sub3A_246, %dma_start3A_258] : memref<80x128xi32, #tpu.memory_space<vmem>> -> memref<1x128xi32, #tpu.memory_space<vmem>>
        %dma_start3A_260 = tpu.memref_squeeze %dma_start3A_259 : memref<1x128xi32, #tpu.memory_space<vmem>> -> memref<128xi32, #tpu.memory_space<vmem>>
        %dma_start3A_261 = arith.constant 0 : i32
        %dma_start3A_262 = arith.constant 0 : i32
        %dma_start3A_263 = tpu.memref_slice %arg2[%dma_start3A_261, %dma_start3A_262] : memref<10000x16xf32, #tpu.memory_space<hbm>> -> memref<10000x16xf32, #tpu.memory_space<hbm>>
        tpu.enqueue_indirect_dma source(%dma_start3A_263 : memref<10000x16xf32, #tpu.memory_space<hbm>>) target(%dma_start3A_257 : memref<128x16xf32, #tpu.memory_space<vmem>>) offsets(%dma_start3A_260 : memref<128xi32, #tpu.memory_space<vmem>>) semaphore(%arg11 : memref<!tpu.dma_semaphore, #tpu.memory_space<semaphore_mem>>)
      } else {
      }
      %scan3A_251 = arith.constant 0 : i32
      scf.yield %scan3A_251 : i32
    }
    %scan3A_182 = arith.constant 80 : i32
    %dma_wait3A = arith.constant 0 : i32
    %dma_wait3A_183 = arith.constant 0 : i32
    %dma_wait3A_184 = arith.constant 0 : i32
    %dma_wait3A_185 = tpu.memref_slice %arg8[%dma_wait3A, %dma_wait3A_183, %dma_wait3A_184] : memref<16x128x16xf32, #tpu.memory_space<vmem>> -> memref<1x128x16xf32, #tpu.memory_space<vmem>>
    %dma_wait3A_186 = tpu.memref_squeeze %dma_wait3A_185 : memref<1x128x16xf32, #tpu.memory_space<vmem>> -> memref<128x16xf32, #tpu.memory_space<vmem>>
    %dma_wait3A_187 = arith.constant 0 : i32
    %dma_wait3A_188 = arith.constant 0 : i32
    %dma_wait3A_189 = tpu.memref_slice %arg2[%dma_wait3A_187, %dma_wait3A_188] : memref<10000x16xf32, #tpu.memory_space<hbm>> -> memref<128x16xf32, #tpu.memory_space<hbm>>
    %dma_wait3A_190 = arith.constant 0 : i32
    %dma_wait3A_191 = arith.constant 0 : i32
    %dma_wait3A_192 = tpu.memref_slice %arg8[%dma_wait3A, %dma_wait3A_190, %dma_wait3A_191] : memref<16x128x16xf32, #tpu.memory_space<vmem>> -> memref<1x128x16xf32, #tpu.memory_space<vmem>>
    %dma_wait3A_193 = tpu.memref_squeeze %dma_wait3A_192 : memref<1x128x16xf32, #tpu.memory_space<vmem>> -> memref<128x16xf32, #tpu.memory_space<vmem>>
    %dma_wait3A_194 = arith.constant 0 : i32
    %dma_wait3A_195 = arith.constant 0 : i32
    %dma_wait3A_196 = tpu.memref_slice %arg2[%dma_wait3A_194, %dma_wait3A_195] : memref<10000x16xf32, #tpu.memory_space<hbm>> -> memref<128x16xf32, #tpu.memory_space<hbm>>
    tpu.wait_dma2 semaphore(%arg12 : memref<!tpu.dma_semaphore, #tpu.memory_space<semaphore_mem>>) src(%dma_wait3A_196 : memref<128x16xf32, #tpu.memory_space<hbm>>) dst(%dma_wait3A_193 : memref<128x16xf32, #tpu.memory_space<vmem>>)
    %dma_wait3A_197 = arith.constant 0 : i32
    %dma_wait3A_198 = arith.constant 0 : i32
    %dma_wait3A_199 = arith.constant 0 : i32
    %dma_wait3A_200 = tpu.memref_slice %arg8[%dma_wait3A_197, %dma_wait3A_198, %dma_wait3A_199] : memref<16x128x16xf32, #tpu.memory_space<vmem>> -> memref<1x128x16xf32, #tpu.memory_space<vmem>>
    %dma_wait3A_201 = tpu.memref_squeeze %dma_wait3A_200 : memref<1x128x16xf32, #tpu.memory_space<vmem>> -> memref<128x16xf32, #tpu.memory_space<vmem>>
    %dma_wait3A_202 = arith.constant 0 : i32
    %dma_wait3A_203 = arith.constant 0 : i32
    %dma_wait3A_204 = tpu.memref_slice %arg2[%dma_wait3A_202, %dma_wait3A_203] : memref<10000x16xf32, #tpu.memory_space<hbm>> -> memref<128x16xf32, #tpu.memory_space<hbm>>
    %dma_wait3A_205 = arith.constant 0 : i32
    %dma_wait3A_206 = arith.constant 0 : i32
    %dma_wait3A_207 = tpu.memref_slice %arg8[%dma_wait3A_197, %dma_wait3A_205, %dma_wait3A_206] : memref<16x128x16xf32, #tpu.memory_space<vmem>> -> memref<1x128x16xf32, #tpu.memory_space<vmem>>
    %dma_wait3A_208 = tpu.memref_squeeze %dma_wait3A_207 : memref<1x128x16xf32, #tpu.memory_space<vmem>> -> memref<128x16xf32, #tpu.memory_space<vmem>>
    %dma_wait3A_209 = arith.constant 0 : i32
    %dma_wait3A_210 = arith.constant 0 : i32
    %dma_wait3A_211 = tpu.memref_slice %arg2[%dma_wait3A_209, %dma_wait3A_210] : memref<10000x16xf32, #tpu.memory_space<hbm>> -> memref<128x16xf32, #tpu.memory_space<hbm>>
    tpu.wait_dma2 semaphore(%arg12 : memref<!tpu.dma_semaphore, #tpu.memory_space<semaphore_mem>>) src(%dma_wait3A_211 : memref<128x16xf32, #tpu.memory_space<hbm>>) dst(%dma_wait3A_208 : memref<128x16xf32, #tpu.memory_space<vmem>>)
    %barrier3A_212 = arith.constant 0 : index
    tpu.barrier barrier_id(%barrier3A_212)
    %mul3A_213 = arith.constant 625 : i32
    %mul3A_214 = arith.muli %arg1, %mul3A_213 : i32
    "tpu.region"() ({
      %run_scoped3A = tpu.sem_alloc : memref<!tpu.dma_semaphore, #tpu.memory_space<semaphore_mem>>
      %dma_start3A_215 = arith.constant 0 : i32
      %dma_start3A_216 = tpu.memref_slice %arg10[%mul3A_214, %dma_start3A_215] : memref<10512x16xf32, #tpu.memory_space<vmem_shared>> -> memref<625x16xf32, #tpu.memory_space<vmem_shared>>
      %dma_start3A_217 = arith.constant 0 : i32
      %dma_start3A_218 = tpu.memref_slice %arg10[%mul3A_214, %dma_start3A_217] : memref<10512x16xf32, #tpu.memory_space<vmem_shared>> -> memref<625x16xf32, #tpu.memory_space<vmem_shared>>
      tpu.enqueue_dma source(%dma_start3A_218 : memref<625x16xf32, #tpu.memory_space<vmem_shared>>) target(%arg9 : memref<625x16xf32, #tpu.memory_space<vmem>>) target_semaphore(%run_scoped3A : memref<!tpu.dma_semaphore, #tpu.memory_space<semaphore_mem>>)
      %dma_wait3A_219 = arith.constant 0 : i32
      %dma_wait3A_220 = tpu.memref_slice %arg10[%mul3A_214, %dma_wait3A_219] : memref<10512x16xf32, #tpu.memory_space<vmem_shared>> -> memref<625x16xf32, #tpu.memory_space<vmem_shared>>
      %dma_wait3A_221 = arith.constant 0 : i32
      %dma_wait3A_222 = tpu.memref_slice %arg10[%mul3A_214, %dma_wait3A_221] : memref<10512x16xf32, #tpu.memory_space<vmem_shared>> -> memref<625x16xf32, #tpu.memory_space<vmem_shared>>
      tpu.wait_dma2 semaphore(%run_scoped3A : memref<!tpu.dma_semaphore, #tpu.memory_space<semaphore_mem>>) src(%dma_wait3A_222 : memref<625x16xf32, #tpu.memory_space<vmem_shared>>) dst(%arg9 : memref<625x16xf32, #tpu.memory_space<vmem>>)
      tpu.yield
    }) : () -> ()
    "tpu.region"() ({
      %run_scoped3A = tpu.sem_alloc : memref<!tpu.dma_semaphore, #tpu.memory_space<semaphore_mem>>
      %dma_start3A_215 = arith.constant 0 : i32
      %dma_start3A_216 = arith.constant 0 : i32
      %dma_start3A_217 = tpu.memref_slice %arg5[%arg0, %arg1, %dma_start3A_215, %dma_start3A_216] : memref<2x16x625x16xf32, #tpu.memory_space<hbm>> -> memref<1x1x625x16xf32, #tpu.memory_space<hbm>>
      %dma_start3A_218 = tpu.memref_squeeze %dma_start3A_217 : memref<1x1x625x16xf32, #tpu.memory_space<hbm>> -> memref<625x16xf32, #tpu.memory_space<hbm>>
      %dma_start3A_219 = arith.constant 0 : i32
      %dma_start3A_220 = arith.constant 0 : i32
      %dma_start3A_221 = tpu.memref_slice %arg5[%arg0, %arg1, %dma_start3A_219, %dma_start3A_220] : memref<2x16x625x16xf32, #tpu.memory_space<hbm>> -> memref<1x1x625x16xf32, #tpu.memory_space<hbm>>
      %dma_start3A_222 = tpu.memref_squeeze %dma_start3A_221 : memref<1x1x625x16xf32, #tpu.memory_space<hbm>> -> memref<625x16xf32, #tpu.memory_space<hbm>>
      tpu.enqueue_dma source(%arg9 : memref<625x16xf32, #tpu.memory_space<vmem>>) target(%dma_start3A_222 : memref<625x16xf32, #tpu.memory_space<hbm>>) target_semaphore(%run_scoped3A : memref<!tpu.dma_semaphore, #tpu.memory_space<semaphore_mem>>)
      %dma_wait3A_223 = arith.constant 0 : i32
      %dma_wait3A_224 = arith.constant 0 : i32
      %dma_wait3A_225 = tpu.memref_slice %arg5[%arg0, %arg1, %dma_wait3A_223, %dma_wait3A_224] : memref<2x16x625x16xf32, #tpu.memory_space<hbm>> -> memref<1x1x625x16xf32, #tpu.memory_space<hbm>>
      %dma_wait3A_226 = tpu.memref_squeeze %dma_wait3A_225 : memref<1x1x625x16xf32, #tpu.memory_space<hbm>> -> memref<625x16xf32, #tpu.memory_space<hbm>>
      %dma_wait3A_227 = arith.constant 0 : i32
      %dma_wait3A_228 = arith.constant 0 : i32
      %dma_wait3A_229 = tpu.memref_slice %arg5[%arg0, %arg1, %dma_wait3A_227, %dma_wait3A_228] : memref<2x16x625x16xf32, #tpu.memory_space<hbm>> -> memref<1x1x625x16xf32, #tpu.memory_space<hbm>>
      %dma_wait3A_230 = tpu.memref_squeeze %dma_wait3A_229 : memref<1x1x625x16xf32, #tpu.memory_space<hbm>> -> memref<625x16xf32, #tpu.memory_space<hbm>>
      tpu.wait_dma2 semaphore(%run_scoped3A : memref<!tpu.dma_semaphore, #tpu.memory_space<semaphore_mem>>) src(%arg9 : memref<625x16xf32, #tpu.memory_space<vmem>>) dst(%dma_wait3A_230 : memref<625x16xf32, #tpu.memory_space<hbm>>)
      tpu.yield
    }) : () -> ()
    return
  }
}

#map = affine_map<(d0, d1) -> (0, 0, 0)>
#map1 = affine_map<(d0, d1) -> (0, 0, 0, 0)>
module attributes {stable_mosaic.version = 14 : i64} {
  func.func @_sc_deg_body(%arg0: i32, %arg1: i32, %arg2: memref<32x80x128xi32, #tpu.memory_space<hbm>>, %arg3: memref<2x16x625x16xf32, #tpu.memory_space<hbm>>, %arg4: memref<80x128xi32, #tpu.memory_space<vmem>>, %arg5: memref<128x16xf32, #tpu.memory_space<vmem>>, %arg6: memref<625x16xf32, #tpu.memory_space<vmem>>, %arg7: memref<10512x16xf32, #tpu.memory_space<vmem_shared>>, %arg8: memref<!tpu.dma_semaphore, #tpu.memory_space<semaphore_mem>>) attributes {dimension_semantics = [#tpu.dimension_semantics<core_parallel>, #tpu.dimension_semantics<subcore_parallel>], iteration_bounds = array<i64: 2, 16>, scalar_prefetch = 0 : i64, scratch_operands = 5 : i64, tpu.core_type = #tpu.core_type<sc_vector_subcore>, window_params = [{transform_indices = #map}, {transform_indices = #map1}]} {
    %mul3A = arith.constant 2 : i32
    %mul3A_0 = arith.muli %arg1, %mul3A : i32
    %add3A = arith.addi %mul3A_0, %arg0 : i32
    %scan3A = arith.constant 0 : i32
    %scan3A_1 = arith.constant 0 : i32
    %scan3A_2 = arith.constant 625 : i32
    %scan3A_3 = arith.addi %scan3A_1, %scan3A_2 : i32
    %scan3A_4 = arith.constant 1 : i32
    %scan3A_5 = scf.for %scan3A_33 = %scan3A_1 to %scan3A_3 step %scan3A_4 iter_args(%scan3A_34 = %scan3A) -> (i32)  : i32 {
      %broadcast_in_dim3A = arith.constant 0.000000e+00 : f32
      %broadcast_in_dim3A_35 = vector.broadcast %broadcast_in_dim3A : f32 to vector<16xf32>
      %swap3A = arith.index_cast %scan3A_33 : i32 to index
      %swap3A_36 = arith.constant 0 : index
      %swap3A_37 = tpu.vector_load %arg6[%swap3A, %swap3A_36] {strides = array<i32>} : memref<625x16xf32, #tpu.memory_space<vmem>>, vector<1x16xf32>,
      %swap3A_38 = vector.shape_cast %swap3A_37 : vector<1x16xf32> to vector<16xf32>
      %swap3A_39 = vector.shape_cast %broadcast_in_dim3A_35 : vector<16xf32> to vector<1x16xf32>
      tpu.vector_store %arg6[%swap3A, %swap3A_36], %swap3A_39 {strides = array<i32>} : memref<625x16xf32, #tpu.memory_space<vmem>>, vector<1x16xf32>,
      %scan3A_40 = arith.constant 0 : i32
      scf.yield %scan3A_40 : i32
    }
    %scan3A_6 = arith.constant 625 : i32
    %mul3A_7 = arith.constant 625 : i32
    %mul3A_8 = arith.muli %arg1, %mul3A_7 : i32
    "tpu.region"() ({
      %run_scoped3A = tpu.sem_alloc : memref<!tpu.dma_semaphore, #tpu.memory_space<semaphore_mem>>
      %dma_start3A = arith.constant 0 : i32
      %dma_start3A_33 = tpu.memref_slice %arg7[%mul3A_8, %dma_start3A] : memref<10512x16xf32, #tpu.memory_space<vmem_shared>> -> memref<625x16xf32, #tpu.memory_space<vmem_shared>>
      %dma_start3A_34 = arith.constant 0 : i32
      %dma_start3A_35 = tpu.memref_slice %arg7[%mul3A_8, %dma_start3A_34] : memref<10512x16xf32, #tpu.memory_space<vmem_shared>> -> memref<625x16xf32, #tpu.memory_space<vmem_shared>>
      tpu.enqueue_dma source(%arg6 : memref<625x16xf32, #tpu.memory_space<vmem>>) target(%dma_start3A_35 : memref<625x16xf32, #tpu.memory_space<vmem_shared>>) target_semaphore(%run_scoped3A : memref<!tpu.dma_semaphore, #tpu.memory_space<semaphore_mem>>)
      %dma_wait3A = arith.constant 0 : i32
      %dma_wait3A_36 = tpu.memref_slice %arg7[%mul3A_8, %dma_wait3A] : memref<10512x16xf32, #tpu.memory_space<vmem_shared>> -> memref<625x16xf32, #tpu.memory_space<vmem_shared>>
      %dma_wait3A_37 = arith.constant 0 : i32
      %dma_wait3A_38 = tpu.memref_slice %arg7[%mul3A_8, %dma_wait3A_37] : memref<10512x16xf32, #tpu.memory_space<vmem_shared>> -> memref<625x16xf32, #tpu.memory_space<vmem_shared>>
      tpu.wait_dma2 semaphore(%run_scoped3A : memref<!tpu.dma_semaphore, #tpu.memory_space<semaphore_mem>>) src(%arg6 : memref<625x16xf32, #tpu.memory_space<vmem>>) dst(%dma_wait3A_38 : memref<625x16xf32, #tpu.memory_space<vmem_shared>>)
      tpu.yield
    }) : () -> ()
    %barrier3A = arith.constant 0 : index
    tpu.barrier barrier_id(%barrier3A)
    "tpu.region"() ({
      %run_scoped3A = tpu.sem_alloc : memref<!tpu.dma_semaphore, #tpu.memory_space<semaphore_mem>>
      %dma_start3A = arith.constant 0 : i32
      %dma_start3A_33 = arith.constant 0 : i32
      %dma_start3A_34 = tpu.memref_slice %arg2[%add3A, %dma_start3A, %dma_start3A_33] : memref<32x80x128xi32, #tpu.memory_space<hbm>> -> memref<1x80x128xi32, #tpu.memory_space<hbm>>
      %dma_start3A_35 = tpu.memref_squeeze %dma_start3A_34 : memref<1x80x128xi32, #tpu.memory_space<hbm>> -> memref<80x128xi32, #tpu.memory_space<hbm>>
      %dma_start3A_36 = arith.constant 0 : i32
      %dma_start3A_37 = arith.constant 0 : i32
      %dma_start3A_38 = tpu.memref_slice %arg2[%add3A, %dma_start3A_36, %dma_start3A_37] : memref<32x80x128xi32, #tpu.memory_space<hbm>> -> memref<1x80x128xi32, #tpu.memory_space<hbm>>
      %dma_start3A_39 = tpu.memref_squeeze %dma_start3A_38 : memref<1x80x128xi32, #tpu.memory_space<hbm>> -> memref<80x128xi32, #tpu.memory_space<hbm>>
      tpu.enqueue_dma source(%dma_start3A_39 : memref<80x128xi32, #tpu.memory_space<hbm>>) target(%arg4 : memref<80x128xi32, #tpu.memory_space<vmem>>) target_semaphore(%run_scoped3A : memref<!tpu.dma_semaphore, #tpu.memory_space<semaphore_mem>>)
      %dma_wait3A = arith.constant 0 : i32
      %dma_wait3A_40 = arith.constant 0 : i32
      %dma_wait3A_41 = tpu.memref_slice %arg2[%add3A, %dma_wait3A, %dma_wait3A_40] : memref<32x80x128xi32, #tpu.memory_space<hbm>> -> memref<1x80x128xi32, #tpu.memory_space<hbm>>
      %dma_wait3A_42 = tpu.memref_squeeze %dma_wait3A_41 : memref<1x80x128xi32, #tpu.memory_space<hbm>> -> memref<80x128xi32, #tpu.memory_space<hbm>>
      %dma_wait3A_43 = arith.constant 0 : i32
      %dma_wait3A_44 = arith.constant 0 : i32
      %dma_wait3A_45 = tpu.memref_slice %arg2[%add3A, %dma_wait3A_43, %dma_wait3A_44] : memref<32x80x128xi32, #tpu.memory_space<hbm>> -> memref<1x80x128xi32, #tpu.memory_space<hbm>>
      %dma_wait3A_46 = tpu.memref_squeeze %dma_wait3A_45 : memref<1x80x128xi32, #tpu.memory_space<hbm>> -> memref<80x128xi32, #tpu.memory_space<hbm>>
      tpu.wait_dma2 semaphore(%run_scoped3A : memref<!tpu.dma_semaphore, #tpu.memory_space<semaphore_mem>>) src(%dma_wait3A_46 : memref<80x128xi32, #tpu.memory_space<hbm>>) dst(%arg4 : memref<80x128xi32, #tpu.memory_space<vmem>>)
      tpu.yield
    }) : () -> ()
    %scan3A_9 = arith.constant 0 : i32
    %scan3A_10 = arith.constant 0 : i32
    %scan3A_11 = arith.constant 128 : i32
    %scan3A_12 = arith.addi %scan3A_10, %scan3A_11 : i32
    %scan3A_13 = arith.constant 1 : i32
    %scan3A_14 = scf.for %scan3A_33 = %scan3A_10 to %scan3A_12 step %scan3A_13 iter_args(%scan3A_34 = %scan3A_9) -> (i32)  : i32 {
      %broadcast_in_dim3A = arith.constant 1.000000e+00 : f32
      %broadcast_in_dim3A_35 = vector.broadcast %broadcast_in_dim3A : f32 to vector<16xf32>
      %swap3A = arith.index_cast %scan3A_33 : i32 to index
      %swap3A_36 = arith.constant 0 : index
      %swap3A_37 = tpu.vector_load %arg5[%swap3A, %swap3A_36] {strides = array<i32>} : memref<128x16xf32, #tpu.memory_space<vmem>>, vector<1x16xf32>,
      %swap3A_38 = vector.shape_cast %swap3A_37 : vector<1x16xf32> to vector<16xf32>
      %swap3A_39 = vector.shape_cast %broadcast_in_dim3A_35 : vector<16xf32> to vector<1x16xf32>
      tpu.vector_store %arg5[%swap3A, %swap3A_36], %swap3A_39 {strides = array<i32>} : memref<128x16xf32, #tpu.memory_space<vmem>>, vector<1x16xf32>,
      %scan3A_40 = arith.constant 0 : i32
      scf.yield %scan3A_40 : i32
    }
    %scan3A_15 = arith.constant 128 : i32
    %scan3A_16 = arith.constant 0 : i32
    %scan3A_17 = arith.constant 0 : i32
    %scan3A_18 = arith.constant 80 : i32
    %scan3A_19 = arith.addi %scan3A_17, %scan3A_18 : i32
    %scan3A_20 = arith.constant 1 : i32
    %scan3A_21 = scf.for %scan3A_33 = %scan3A_17 to %scan3A_19 step %scan3A_20 iter_args(%scan3A_34 = %scan3A_16) -> (i32)  : i32 {
      %dma_start3A = arith.constant 0 : i32
      %dma_start3A_35 = tpu.memref_slice %arg4[%scan3A_33, %dma_start3A] : memref<80x128xi32, #tpu.memory_space<vmem>> -> memref<1x128xi32, #tpu.memory_space<vmem>>
      %dma_start3A_36 = tpu.memref_squeeze %dma_start3A_35 : memref<1x128xi32, #tpu.memory_space<vmem>> -> memref<128xi32, #tpu.memory_space<vmem>>
      %dma_start3A_37 = arith.constant 0 : i32
      %dma_start3A_38 = arith.constant 0 : i32
      %dma_start3A_39 = tpu.memref_slice %arg7[%dma_start3A_37, %dma_start3A_38] : memref<10512x16xf32, #tpu.memory_space<vmem_shared>> -> memref<10512x16xf32, #tpu.memory_space<vmem_shared>>
      tpu.enqueue_indirect_dma source(%arg5 : memref<128x16xf32, #tpu.memory_space<vmem>>) target(%dma_start3A_39 : memref<10512x16xf32, #tpu.memory_space<vmem_shared>>) offsets(%dma_start3A_36 : memref<128xi32, #tpu.memory_space<vmem>>) semaphore(%arg8 : memref<!tpu.dma_semaphore, #tpu.memory_space<semaphore_mem>>) {add = true}
      %ge3A = arith.constant 8 : i32
      %ge3A_40 = arith.cmpi sge, %scan3A_33, %ge3A : i32
      %convert_element_type3A = arith.extui %ge3A_40 : i1 to i32
      %cond3A = arith.constant 0 : i32
      %cond3A_41 = arith.cmpi ne, %convert_element_type3A, %cond3A : i32
      scf.if %cond3A_41 {
        %dma_wait3A = arith.constant 0 : i32
        %dma_wait3A_43 = arith.constant 0 : i32
        %dma_wait3A_44 = arith.constant 0 : i32
        %dma_wait3A_45 = arith.constant 0 : i32
        %dma_wait3A_46 = tpu.memref_slice %arg3[%dma_wait3A, %dma_wait3A_43, %dma_wait3A_44, %dma_wait3A_45] : memref<2x16x625x16xf32, #tpu.memory_space<hbm>> -> memref<1x1x128x16xf32, #tpu.memory_space<hbm>>
        %dma_wait3A_47 = tpu.memref_squeeze %dma_wait3A_46 : memref<1x1x128x16xf32, #tpu.memory_space<hbm>> -> memref<128x16xf32, #tpu.memory_space<hbm>>
        %dma_wait3A_48 = arith.constant 0 : i32
        %dma_wait3A_49 = arith.constant 0 : i32
        %dma_wait3A_50 = tpu.memref_slice %arg3[%dma_wait3A, %dma_wait3A_43, %dma_wait3A_48, %dma_wait3A_49] : memref<2x16x625x16xf32, #tpu.memory_space<hbm>> -> memref<1x1x128x16xf32, #tpu.memory_space<hbm>>
        %dma_wait3A_51 = tpu.memref_squeeze %dma_wait3A_50 : memref<1x1x128x16xf32, #tpu.memory_space<hbm>> -> memref<128x16xf32, #tpu.memory_space<hbm>>
        tpu.wait_dma2 semaphore(%arg8 : memref<!tpu.dma_semaphore, #tpu.memory_space<semaphore_mem>>) src(%dma_wait3A_51 : memref<128x16xf32, #tpu.memory_space<hbm>>) dst(%arg5 : memref<128x16xf32, #tpu.memory_space<vmem>>)
      } else {
      }
      %scan3A_42 = arith.constant 0 : i32
      scf.yield %scan3A_42 : i32
    }
    %scan3A_22 = arith.constant 80 : i32
    %scan3A_23 = arith.constant 0 : i32
    %scan3A_24 = arith.constant 0 : i32
    %scan3A_25 = arith.constant 8 : i32
    %scan3A_26 = arith.addi %scan3A_24, %scan3A_25 : i32
    %scan3A_27 = arith.constant 1 : i32
    %scan3A_28 = scf.for %scan3A_33 = %scan3A_24 to %scan3A_26 step %scan3A_27 iter_args(%scan3A_34 = %scan3A_23) -> (i32)  : i32 {
      %dma_wait3A = arith.constant 0 : i32
      %dma_wait3A_35 = arith.constant 0 : i32
      %dma_wait3A_36 = arith.constant 0 : i32
      %dma_wait3A_37 = arith.constant 0 : i32
      %dma_wait3A_38 = tpu.memref_slice %arg3[%dma_wait3A, %dma_wait3A_35, %dma_wait3A_36, %dma_wait3A_37] : memref<2x16x625x16xf32, #tpu.memory_space<hbm>> -> memref<1x1x128x16xf32, #tpu.memory_space<hbm>>
      %dma_wait3A_39 = tpu.memref_squeeze %dma_wait3A_38 : memref<1x1x128x16xf32, #tpu.memory_space<hbm>> -> memref<128x16xf32, #tpu.memory_space<hbm>>
      %dma_wait3A_40 = arith.constant 0 : i32
      %dma_wait3A_41 = arith.constant 0 : i32
      %dma_wait3A_42 = tpu.memref_slice %arg3[%dma_wait3A, %dma_wait3A_35, %dma_wait3A_40, %dma_wait3A_41] : memref<2x16x625x16xf32, #tpu.memory_space<hbm>> -> memref<1x1x128x16xf32, #tpu.memory_space<hbm>>
      %dma_wait3A_43 = tpu.memref_squeeze %dma_wait3A_42 : memref<1x1x128x16xf32, #tpu.memory_space<hbm>> -> memref<128x16xf32, #tpu.memory_space<hbm>>
      tpu.wait_dma2 semaphore(%arg8 : memref<!tpu.dma_semaphore, #tpu.memory_space<semaphore_mem>>) src(%dma_wait3A_43 : memref<128x16xf32, #tpu.memory_space<hbm>>) dst(%arg5 : memref<128x16xf32, #tpu.memory_space<vmem>>)
      %scan3A_44 = arith.constant 0 : i32
      scf.yield %scan3A_44 : i32
    }
    %scan3A_29 = arith.constant 8 : i32
    %barrier3A_30 = arith.constant 0 : index
    tpu.barrier barrier_id(%barrier3A_30)
    %mul3A_31 = arith.constant 625 : i32
    %mul3A_32 = arith.muli %arg1, %mul3A_31 : i32
    "tpu.region"() ({
      %run_scoped3A = tpu.sem_alloc : memref<!tpu.dma_semaphore, #tpu.memory_space<semaphore_mem>>
      %dma_start3A = arith.constant 0 : i32
      %dma_start3A_33 = tpu.memref_slice %arg7[%mul3A_32, %dma_start3A] : memref<10512x16xf32, #tpu.memory_space<vmem_shared>> -> memref<625x16xf32, #tpu.memory_space<vmem_shared>>
      %dma_start3A_34 = arith.constant 0 : i32
      %dma_start3A_35 = tpu.memref_slice %arg7[%mul3A_32, %dma_start3A_34] : memref<10512x16xf32, #tpu.memory_space<vmem_shared>> -> memref<625x16xf32, #tpu.memory_space<vmem_shared>>
      tpu.enqueue_dma source(%dma_start3A_35 : memref<625x16xf32, #tpu.memory_space<vmem_shared>>) target(%arg6 : memref<625x16xf32, #tpu.memory_space<vmem>>) target_semaphore(%run_scoped3A : memref<!tpu.dma_semaphore, #tpu.memory_space<semaphore_mem>>)
      %dma_wait3A = arith.constant 0 : i32
      %dma_wait3A_36 = tpu.memref_slice %arg7[%mul3A_32, %dma_wait3A] : memref<10512x16xf32, #tpu.memory_space<vmem_shared>> -> memref<625x16xf32, #tpu.memory_space<vmem_shared>>
      %dma_wait3A_37 = arith.constant 0 : i32
      %dma_wait3A_38 = tpu.memref_slice %arg7[%mul3A_32, %dma_wait3A_37] : memref<10512x16xf32, #tpu.memory_space<vmem_shared>> -> memref<625x16xf32, #tpu.memory_space<vmem_shared>>
      tpu.wait_dma2 semaphore(%run_scoped3A : memref<!tpu.dma_semaphore, #tpu.memory_space<semaphore_mem>>) src(%dma_wait3A_38 : memref<625x16xf32, #tpu.memory_space<vmem_shared>>) dst(%arg6 : memref<625x16xf32, #tpu.memory_space<vmem>>)
      tpu.yield
    }) : () -> ()
    "tpu.region"() ({
      %run_scoped3A = tpu.sem_alloc : memref<!tpu.dma_semaphore, #tpu.memory_space<semaphore_mem>>
      %dma_start3A = arith.constant 0 : i32
      %dma_start3A_33 = arith.constant 0 : i32
      %dma_start3A_34 = tpu.memref_slice %arg3[%arg0, %arg1, %dma_start3A, %dma_start3A_33] : memref<2x16x625x16xf32, #tpu.memory_space<hbm>> -> memref<1x1x625x16xf32, #tpu.memory_space<hbm>>
      %dma_start3A_35 = tpu.memref_squeeze %dma_start3A_34 : memref<1x1x625x16xf32, #tpu.memory_space<hbm>> -> memref<625x16xf32, #tpu.memory_space<hbm>>
      %dma_start3A_36 = arith.constant 0 : i32
      %dma_start3A_37 = arith.constant 0 : i32
      %dma_start3A_38 = tpu.memref_slice %arg3[%arg0, %arg1, %dma_start3A_36, %dma_start3A_37] : memref<2x16x625x16xf32, #tpu.memory_space<hbm>> -> memref<1x1x625x16xf32, #tpu.memory_space<hbm>>
      %dma_start3A_39 = tpu.memref_squeeze %dma_start3A_38 : memref<1x1x625x16xf32, #tpu.memory_space<hbm>> -> memref<625x16xf32, #tpu.memory_space<hbm>>
      tpu.enqueue_dma source(%arg6 : memref<625x16xf32, #tpu.memory_space<vmem>>) target(%dma_start3A_39 : memref<625x16xf32, #tpu.memory_space<hbm>>) target_semaphore(%run_scoped3A : memref<!tpu.dma_semaphore, #tpu.memory_space<semaphore_mem>>)
      %dma_wait3A = arith.constant 0 : i32
      %dma_wait3A_40 = arith.constant 0 : i32
      %dma_wait3A_41 = tpu.memref_slice %arg3[%arg0, %arg1, %dma_wait3A, %dma_wait3A_40] : memref<2x16x625x16xf32, #tpu.memory_space<hbm>> -> memref<1x1x625x16xf32, #tpu.memory_space<hbm>>
      %dma_wait3A_42 = tpu.memref_squeeze %dma_wait3A_41 : memref<1x1x625x16xf32, #tpu.memory_space<hbm>> -> memref<625x16xf32, #tpu.memory_space<hbm>>
      %dma_wait3A_43 = arith.constant 0 : i32
      %dma_wait3A_44 = arith.constant 0 : i32
      %dma_wait3A_45 = tpu.memref_slice %arg3[%arg0, %arg1, %dma_wait3A_43, %dma_wait3A_44] : memref<2x16x625x16xf32, #tpu.memory_space<hbm>> -> memref<1x1x625x16xf32, #tpu.memory_space<hbm>>
      %dma_wait3A_46 = tpu.memref_squeeze %dma_wait3A_45 : memref<1x1x625x16xf32, #tpu.memory_space<hbm>> -> memref<625x16xf32, #tpu.memory_space<hbm>>
      tpu.wait_dma2 semaphore(%run_scoped3A : memref<!tpu.dma_semaphore, #tpu.memory_space<semaphore_mem>>) src(%arg6 : memref<625x16xf32, #tpu.memory_space<vmem>>) dst(%dma_wait3A_46 : memref<625x16xf32, #tpu.memory_space<hbm>>)
      tpu.yield
    }) : () -> ()
    return
  }
}

module attributes {stable_mosaic.version = 14 : i64} {
  func.func @_tc_prep_body(%arg0: i32, %arg1: memref<1000x128xf32, #tpu.memory_space<vmem>>, %arg2: memref<128x16xf32, #tpu.memory_space<vmem>>, %arg3: memref<2x1000x16xf32, #tpu.memory_space<vmem>>, %arg4: memref<1000x1xf32, #tpu.memory_space<vmem>>, %arg5: memref<1000x16xf32, #tpu.memory_space<vmem>>) attributes {dimension_semantics = [#tpu.dimension_semantics<arbitrary>], iteration_bounds = array<i64: 10>, scalar_prefetch = 0 : i64, scratch_operands = 0 : i64, tpu.core_type = #tpu.core_type<tc>, window_params = [{transform_indices = @transform_0, window_bounds = array<i64: 1000, 128>}, {pipeline_mode = #tpu.pipeline_mode<synchronous>, transform_indices = @transform_1, window_bounds = array<i64: 128, 16>}, {transform_indices = @transform_2, window_bounds = array<i64: 2, 1000, 16>}, {transform_indices = @transform_3, window_bounds = array<i64: 1000, 1>}, {transform_indices = @transform_4, window_bounds = array<i64: 1000, 16>}]} {
    %get3A = arith.constant 0 : index
    %get3A_0 = arith.constant 0 : index
    %get3A_1 = arith.constant 0 : index
    %get3A_2 = vector.load %arg3[%get3A, %get3A_0, %get3A_1] : memref<2x1000x16xf32, #tpu.memory_space<vmem>>, vector<1x1000x1xf32>
    %get3A_3 = vector.shape_cast %get3A_2 : vector<1x1000x1xf32> to vector<1000x1xf32>
    %get3A_4 = arith.constant 1 : index
    %get3A_5 = arith.constant 0 : index
    %get3A_6 = arith.constant 0 : index
    %get3A_7 = vector.load %arg3[%get3A_4, %get3A_5, %get3A_6] : memref<2x1000x16xf32, #tpu.memory_space<vmem>>, vector<1x1000x1xf32>
    %get3A_8 = vector.shape_cast %get3A_7 : vector<1x1000x1xf32> to vector<1000x1xf32>
    %add3A = arith.addf %get3A_3, %get3A_8 : vector<1000x1xf32>
    %add3A_9 = arith.constant 1.000000e+00 : f32
    %add3A_10 = vector.broadcast %add3A_9 : f32 to vector<1000x1xf32>
    %add3A_11 = arith.addf %add3A, %add3A_10 : vector<1000x1xf32>
    %rsqrt3A = math.rsqrt %add3A_11 : vector<1000x1xf32>
    %get3A_12 = arith.constant 0 : index
    %get3A_13 = arith.constant 0 : index
    %get3A_14 = vector.load %arg1[%get3A_12, %get3A_13] : memref<1000x128xf32, #tpu.memory_space<vmem>>, vector<1000x128xf32>
    %get3A_15 = arith.constant 0 : index
    %get3A_16 = arith.constant 0 : index
    %get3A_17 = vector.load %arg2[%get3A_15, %get3A_16] : memref<128x16xf32, #tpu.memory_space<vmem>>, vector<128x16xf32>
    %dot_general3A = arith.constant dense<0.000000e+00> : vector<1000x16xf32>
    %dot_general3A_18 = tpu.matmul %get3A_14, %get3A_17, %dot_general3A {dimension_numbers = #tpu.dot_dimension_numbers<[1], [0], [0], [1], [0, 0, 1, 1], [], []>, transpose_lhs_hint = false} : vector<1000x128xf32>, vector<128x16xf32>, vector<1000x16xf32> -> vector<1000x16xf32>
    %swap3A = arith.constant 0 : index
    %swap3A_19 = arith.constant 0 : index
    %swap3A_20 = vector.load %arg4[%swap3A, %swap3A_19] : memref<1000x1xf32, #tpu.memory_space<vmem>>, vector<1000x1xf32>
    tpu.vector_store %arg4[%swap3A, %swap3A_19], %rsqrt3A {strides = array<i32>} : memref<1000x1xf32, #tpu.memory_space<vmem>>, vector<1000x1xf32>,
    %mul3A = vector.broadcast %rsqrt3A : vector<1000x1xf32> to vector<1000x16xf32>
    %mul3A_21 = arith.mulf %dot_general3A_18, %mul3A : vector<1000x16xf32>
    %swap3A_22 = arith.constant 0 : index
    %swap3A_23 = arith.constant 0 : index
    %swap3A_24 = vector.load %arg5[%swap3A_22, %swap3A_23] : memref<1000x16xf32, #tpu.memory_space<vmem>>, vector<1000x16xf32>
    tpu.vector_store %arg5[%swap3A_22, %swap3A_23], %mul3A_21 {strides = array<i32>} : memref<1000x16xf32, #tpu.memory_space<vmem>>, vector<1000x16xf32>,
    return
  }
  func.func @transform_0(%arg0: i32) -> (i32, i32) {
    %c0_i32 = arith.constant 0 : i32
    %c0_i32_0 = arith.constant 0 : i32
    return %arg0, %c0_i32 : i32, i32
  }
  func.func @transform_1(%arg0: i32) -> (i32, i32) {
    %c0_i32 = arith.constant 0 : i32
    %c0_i32_0 = arith.constant 0 : i32
    %c0_i32_1 = arith.constant 0 : i32
    return %c0_i32, %c0_i32_0 : i32, i32
  }
  func.func @transform_2(%arg0: i32) -> (i32, i32, i32) {
    %c0_i32 = arith.constant 0 : i32
    %c0_i32_0 = arith.constant 0 : i32
    %c0_i32_1 = arith.constant 0 : i32
    return %c0_i32, %arg0, %c0_i32_0 : i32, i32, i32
  }
  func.func @transform_3(%arg0: i32) -> (i32, i32) {
    %c0_i32 = arith.constant 0 : i32
    %c0_i32_0 = arith.constant 0 : i32
    return %arg0, %c0_i32 : i32, i32
  }
  func.func @transform_4(%arg0: i32) -> (i32, i32) {
    %c0_i32 = arith.constant 0 : i32
    %c0_i32_0 = arith.constant 0 : i32
    return %arg0, %c0_i32 : i32, i32
  }
}

module attributes {stable_mosaic.version = 14 : i64} {
  func.func @_tc_layer_body(%arg0: i32, %arg1: memref<2x1000x16xf32, #tpu.memory_space<vmem>>, %arg2: memref<1000x1xf32, #tpu.memory_space<vmem>>, %arg3: memref<1000x16xf32, #tpu.memory_space<vmem>>, %arg4: memref<1x16xf32, #tpu.memory_space<vmem>>, %arg5: memref<16x16xf32, #tpu.memory_space<vmem>>, %arg6: memref<1000x16xf32, #tpu.memory_space<vmem>>, %arg7: memref<1000x16xf32, #tpu.memory_space<vmem>>) attributes {dimension_semantics = [#tpu.dimension_semantics<arbitrary>], iteration_bounds = array<i64: 10>, scalar_prefetch = 0 : i64, scratch_operands = 0 : i64, tpu.core_type = #tpu.core_type<tc>, window_params = [{transform_indices = @transform_0, window_bounds = array<i64: 2, 1000, 16>}, {transform_indices = @transform_1, window_bounds = array<i64: 1000, 1>}, {transform_indices = @transform_2, window_bounds = array<i64: 1000, 16>}, {pipeline_mode = #tpu.pipeline_mode<synchronous>, transform_indices = @transform_3, window_bounds = array<i64: 1, 16>}, {pipeline_mode = #tpu.pipeline_mode<synchronous>, transform_indices = @transform_4, window_bounds = array<i64: 16, 16>}, {transform_indices = @transform_5, window_bounds = array<i64: 1000, 16>}, {transform_indices = @transform_6, window_bounds = array<i64: 1000, 16>}]} {
    %get3A = arith.constant 0 : index
    %get3A_0 = arith.constant 0 : index
    %get3A_1 = vector.load %arg2[%get3A, %get3A_0] : memref<1000x1xf32, #tpu.memory_space<vmem>>, vector<1000x1xf32>
    %get3A_2 = arith.constant 0 : index
    %get3A_3 = arith.constant 0 : index
    %get3A_4 = arith.constant 0 : index
    %get3A_5 = vector.load %arg1[%get3A_2, %get3A_3, %get3A_4] : memref<2x1000x16xf32, #tpu.memory_space<vmem>>, vector<1x1000x16xf32>
    %get3A_6 = vector.shape_cast %get3A_5 : vector<1x1000x16xf32> to vector<1000x16xf32>
    %get3A_7 = arith.constant 1 : index
    %get3A_8 = arith.constant 0 : index
    %get3A_9 = arith.constant 0 : index
    %get3A_10 = vector.load %arg1[%get3A_7, %get3A_8, %get3A_9] : memref<2x1000x16xf32, #tpu.memory_space<vmem>>, vector<1x1000x16xf32>
    %get3A_11 = vector.shape_cast %get3A_10 : vector<1x1000x16xf32> to vector<1000x16xf32>
    %add3A = arith.addf %get3A_6, %get3A_11 : vector<1000x16xf32>
    %get3A_12 = arith.constant 0 : index
    %get3A_13 = arith.constant 0 : index
    %get3A_14 = vector.load %arg3[%get3A_12, %get3A_13] : memref<1000x16xf32, #tpu.memory_space<vmem>>, vector<1000x16xf32>
    %add3A_15 = arith.addf %add3A, %get3A_14 : vector<1000x16xf32>
    %mul3A = vector.broadcast %get3A_1 : vector<1000x1xf32> to vector<1000x16xf32>
    %mul3A_16 = arith.mulf %add3A_15, %mul3A : vector<1000x16xf32>
    %get3A_17 = arith.constant 0 : index
    %get3A_18 = arith.constant 0 : index
    %get3A_19 = vector.load %arg4[%get3A_17, %get3A_18] : memref<1x16xf32, #tpu.memory_space<vmem>>, vector<1x16xf32>
    %add3A_20 = vector.broadcast %get3A_19 : vector<1x16xf32> to vector<1000x16xf32>
    %add3A_21 = arith.addf %mul3A_16, %add3A_20 : vector<1000x16xf32>
    %max3A = arith.constant 0.000000e+00 : f32
    %max3A_22 = vector.broadcast %max3A : f32 to vector<1000x16xf32>
    %max3A_23 = arith.maximumf %add3A_21, %max3A_22 : vector<1000x16xf32>
    %swap3A = arith.constant 0 : index
    %swap3A_24 = arith.constant 0 : index
    %swap3A_25 = vector.load %arg6[%swap3A, %swap3A_24] : memref<1000x16xf32, #tpu.memory_space<vmem>>, vector<1000x16xf32>
    tpu.vector_store %arg6[%swap3A, %swap3A_24], %max3A_23 {strides = array<i32>} : memref<1000x16xf32, #tpu.memory_space<vmem>>, vector<1000x16xf32>,
    %get3A_26 = arith.constant 0 : index
    %get3A_27 = arith.constant 0 : index
    %get3A_28 = vector.load %arg5[%get3A_26, %get3A_27] : memref<16x16xf32, #tpu.memory_space<vmem>>, vector<16x16xf32>
    %dot_general3A = arith.constant dense<0.000000e+00> : vector<1000x16xf32>
    %dot_general3A_29 = tpu.matmul %max3A_23, %get3A_28, %dot_general3A {dimension_numbers = #tpu.dot_dimension_numbers<[1], [0], [0], [1], [0, 0, 1, 1], [], []>, transpose_lhs_hint = false} : vector<1000x16xf32>, vector<16x16xf32>, vector<1000x16xf32> -> vector<1000x16xf32>
    %mul3A_30 = vector.broadcast %get3A_1 : vector<1000x1xf32> to vector<1000x16xf32>
    %mul3A_31 = arith.mulf %dot_general3A_29, %mul3A_30 : vector<1000x16xf32>
    %swap3A_32 = arith.constant 0 : index
    %swap3A_33 = arith.constant 0 : index
    %swap3A_34 = vector.load %arg7[%swap3A_32, %swap3A_33] : memref<1000x16xf32, #tpu.memory_space<vmem>>, vector<1000x16xf32>
    tpu.vector_store %arg7[%swap3A_32, %swap3A_33], %mul3A_31 {strides = array<i32>} : memref<1000x16xf32, #tpu.memory_space<vmem>>, vector<1000x16xf32>,
    return
  }
  func.func @transform_0(%arg0: i32) -> (i32, i32, i32) {
    %c0_i32 = arith.constant 0 : i32
    %c0_i32_0 = arith.constant 0 : i32
    %c0_i32_1 = arith.constant 0 : i32
    return %c0_i32, %arg0, %c0_i32_0 : i32, i32, i32
  }
  func.func @transform_1(%arg0: i32) -> (i32, i32) {
    %c0_i32 = arith.constant 0 : i32
    %c0_i32_0 = arith.constant 0 : i32
    return %arg0, %c0_i32 : i32, i32
  }
  func.func @transform_2(%arg0: i32) -> (i32, i32) {
    %c0_i32 = arith.constant 0 : i32
    %c0_i32_0 = arith.constant 0 : i32
    return %arg0, %c0_i32 : i32, i32
  }
  func.func @transform_3(%arg0: i32) -> (i32, i32) {
    %c0_i32 = arith.constant 0 : i32
    %c0_i32_0 = arith.constant 0 : i32
    %c0_i32_1 = arith.constant 0 : i32
    return %c0_i32, %c0_i32_0 : i32, i32
  }
  func.func @transform_4(%arg0: i32) -> (i32, i32) {
    %c0_i32 = arith.constant 0 : i32
    %c0_i32_0 = arith.constant 0 : i32
    %c0_i32_1 = arith.constant 0 : i32
    return %c0_i32, %c0_i32_0 : i32, i32
  }
  func.func @transform_5(%arg0: i32) -> (i32, i32) {
    %c0_i32 = arith.constant 0 : i32
    %c0_i32_0 = arith.constant 0 : i32
    return %arg0, %c0_i32 : i32, i32
  }
  func.func @transform_6(%arg0: i32) -> (i32, i32) {
    %c0_i32 = arith.constant 0 : i32
    %c0_i32_0 = arith.constant 0 : i32
    return %arg0, %c0_i32 : i32, i32
  }
}

module attributes {stable_mosaic.version = 14 : i64} {
  func.func @_tc_final_body(%arg0: i32, %arg1: memref<2x1000x16xf32, #tpu.memory_space<vmem>>, %arg2: memref<1000x1xf32, #tpu.memory_space<vmem>>, %arg3: memref<1000x16xf32, #tpu.memory_space<vmem>>, %arg4: memref<1x16xf32, #tpu.memory_space<vmem>>, %arg5: memref<1000x16xf32, #tpu.memory_space<vmem>>) attributes {dimension_semantics = [#tpu.dimension_semantics<arbitrary>], iteration_bounds = array<i64: 10>, scalar_prefetch = 0 : i64, scratch_operands = 0 : i64, tpu.core_type = #tpu.core_type<tc>, window_params = [{transform_indices = @transform_0, window_bounds = array<i64: 2, 1000, 16>}, {transform_indices = @transform_1, window_bounds = array<i64: 1000, 1>}, {transform_indices = @transform_2, window_bounds = array<i64: 1000, 16>}, {pipeline_mode = #tpu.pipeline_mode<synchronous>, transform_indices = @transform_3, window_bounds = array<i64: 1, 16>}, {transform_indices = @transform_4, window_bounds = array<i64: 1000, 16>}]} {
    %get3A = arith.constant 0 : index
    %get3A_0 = arith.constant 0 : index
    %get3A_1 = arith.constant 0 : index
    %get3A_2 = vector.load %arg1[%get3A, %get3A_0, %get3A_1] : memref<2x1000x16xf32, #tpu.memory_space<vmem>>, vector<1x1000x16xf32>
    %get3A_3 = vector.shape_cast %get3A_2 : vector<1x1000x16xf32> to vector<1000x16xf32>
    %get3A_4 = arith.constant 1 : index
    %get3A_5 = arith.constant 0 : index
    %get3A_6 = arith.constant 0 : index
    %get3A_7 = vector.load %arg1[%get3A_4, %get3A_5, %get3A_6] : memref<2x1000x16xf32, #tpu.memory_space<vmem>>, vector<1x1000x16xf32>
    %get3A_8 = vector.shape_cast %get3A_7 : vector<1x1000x16xf32> to vector<1000x16xf32>
    %add3A = arith.addf %get3A_3, %get3A_8 : vector<1000x16xf32>
    %get3A_9 = arith.constant 0 : index
    %get3A_10 = arith.constant 0 : index
    %get3A_11 = vector.load %arg3[%get3A_9, %get3A_10] : memref<1000x16xf32, #tpu.memory_space<vmem>>, vector<1000x16xf32>
    %add3A_12 = arith.addf %add3A, %get3A_11 : vector<1000x16xf32>
    %get3A_13 = arith.constant 0 : index
    %get3A_14 = arith.constant 0 : index
    %get3A_15 = vector.load %arg2[%get3A_13, %get3A_14] : memref<1000x1xf32, #tpu.memory_space<vmem>>, vector<1000x1xf32>
    %mul3A = vector.broadcast %get3A_15 : vector<1000x1xf32> to vector<1000x16xf32>
    %mul3A_16 = arith.mulf %add3A_12, %mul3A : vector<1000x16xf32>
    %get3A_17 = arith.constant 0 : index
    %get3A_18 = arith.constant 0 : index
    %get3A_19 = vector.load %arg4[%get3A_17, %get3A_18] : memref<1x16xf32, #tpu.memory_space<vmem>>, vector<1x16xf32>
    %add3A_20 = vector.broadcast %get3A_19 : vector<1x16xf32> to vector<1000x16xf32>
    %add3A_21 = arith.addf %mul3A_16, %add3A_20 : vector<1000x16xf32>
    %swap3A = arith.constant 0 : index
    %swap3A_22 = arith.constant 0 : index
    %swap3A_23 = vector.load %arg5[%swap3A, %swap3A_22] : memref<1000x16xf32, #tpu.memory_space<vmem>>, vector<1000x16xf32>
    tpu.vector_store %arg5[%swap3A, %swap3A_22], %add3A_21 {strides = array<i32>} : memref<1000x16xf32, #tpu.memory_space<vmem>>, vector<1000x16xf32>,
    return
  }
  func.func @transform_0(%arg0: i32) -> (i32, i32, i32) {
    %c0_i32 = arith.constant 0 : i32
    %c0_i32_0 = arith.constant 0 : i32
    %c0_i32_1 = arith.constant 0 : i32
    return %c0_i32, %arg0, %c0_i32_0 : i32, i32, i32
  }
  func.func @transform_1(%arg0: i32) -> (i32, i32) {
    %c0_i32 = arith.constant 0 : i32
    %c0_i32_0 = arith.constant 0 : i32
    return %arg0, %c0_i32 : i32, i32
  }
  func.func @transform_2(%arg0: i32) -> (i32, i32) {
    %c0_i32 = arith.constant 0 : i32
    %c0_i32_0 = arith.constant 0 : i32
    return %arg0, %c0_i32 : i32, i32
  }
  func.func @transform_3(%arg0: i32) -> (i32, i32) {
    %c0_i32 = arith.constant 0 : i32
    %c0_i32_0 = arith.constant 0 : i32
    %c0_i32_1 = arith.constant 0 : i32
    return %c0_i32, %c0_i32_0 : i32, i32
  }
  func.func @transform_4(%arg0: i32) -> (i32, i32) {
    %c0_i32 = arith.constant 0 : i32
    %c0_i32_0 = arith.constant 0 : i32
    return %arg0, %c0_i32 : i32, i32
  }
}

</mosaic_0001>

<sc_bundles>
// kernel: kernel.11.cloned.1.call-start
scs
__scs_entry_jumppad:
0x0: {  	(pc) =	sbr.rel $0x88, $3  }
0x1: {  	(tag) =	ssettag $0x0;
	lr =	simm.s32 $0x1  }
0x2: {  	[smem:$0x3F9B] =	sst lr;
	_ =	strace $0xD0000000  }
0x3: {  	_ = 	snop  }
0x4: {  	_ = 	snop  }
0x5: {  	_ = 	snop  }
0x6: {  	_ = 	snop  }
0x7: {  	_ = 	snop  }
__scs_overlays_trampoline_lowered:
0x8: {  	[smem:$0x3FAA] =	sst s0  }
0x9: {  	[smem:$0x3FAB] =	sst s1  }
0xa: {  	[smem:$0x3FAC] =	sst s2  }
0xb: {  	[smem:$0x3FAD] =	sst s3  }
0xc: {  	[smem:$0x3FAE] =	sst s4  }
0xd: {  	[smem:$0x3FAF] =	sst s5  }
0xe: {  	[smem:$0x3FB0] =	sst s6  }
0xf: {  	[smem:$0x3FB1] =	sst s7  }
0x10: {  	[smem:$0x3FB2] =	sst s8  }
0x11: {  	[smem:$0x3FB3] =	sst s9;
	s0 =	simm.s32 @!p0 $0x0  }
0x12: {  	s1 =	sld [smem:$0x3F99];
	s0 =	simm.s32 @p0 $0x1  }
0x13: {  	[smem:$0x3FB4] =	sst s0;
	s0 =	simm.s32 @!p1 $0x0  }
0x14: {  	s2 =	sld [smem:$0x3F98];
	s0 =	simm.s32 @p1 $0x1  }
0x15: {  	[smem:$0x3FB5] =	sst s0;
	s0 =	simm.s32 @!p2 $0x0  }
0x16: {  	s3 =	sld [smem:$0x3FDB];
	s0 =	simm.s32 @p2 $0x1  }
0x17: {  	s4 =	simm.s32 $0x1BF5;
	[smem:$0x3FB7] =	sst s0  }
0x18: {  	s0 =	sld [smem:$0x3F9A];
	_ =	swait.ge [sflag:s4], $0x0  }
0x19: {  	s7 =	sld [smem:$0x3F9B]  }
0x1a: {  	s8 =	sadd.s32 $0xFFFFE003, lr  }
0x1b: {  	s9 =	sadd.s32 $0xFFFFFEF7, lr;
	s5 =	simm.s32 $0xFFFFFFFF;
	p2 =	slt.u32 s8, $0xFFFFF086  }
0x1c: {  	p1 =	slt.u32 s9, $0xF7A;
	s5 =	simm.s32 @!p2 $0x0  }
0x1d: {  	s5 =	simm.s32 @p1 $0x1;
	p0 =	seq.s32 s7, s2  }
0x1e: {  	s7 =	smul.u32 @!p0 $0xF7A, s2;
	p2 =	seq.s32 @!p0 s5, $0x0  }
0x1f: {  	s9 =	smul.u32 $0xF7A, s1;
	s8 =	simm.s32 @!p0 $0x1BF5;
	p2 =	por !p2, p0  }
0x20: {  	[sflag:s8] =	ssyncset.s32 @!p0 $0xFFFFF086;
	s6 =	sadd.s32 @!p0 s3, s7;
	s7 =	simm.s32 @!p0 $0x108  }
0x21: {  	s3 =	sadd.s32 s3, s9;
	s6 =	sadd.s32 @!p0 $0x88, s6;
	s7 =	simm.s32 @p2 $0x1082  }
0x22: {  	[simem:s7], [sflag:s8] =	dma.local @!p0 [hbm:s6], $0xF7A  }
0x23: {  	s9 =	sor.u32 $0xD0000000, s2;
	s6 =	simm.s32 $0x108;
	_ =	swait.ge @!p0 [sflag:s8], $0x0  }
0x24: {  	s3 =	sadd.s32 $0x88, s3;
	s6 =	simm.s32 @!p1 $0x1082;
	[sflag:s4] =	ssyncset.s32 $0xFFFFF086  }
0x25: {  	[simem:s6], [sflag:s4] =	dma.local [hbm:s3], $0xF7A  }
0x26: {  	[smem:$0x3F9B] =	sst s1;
	(tag) =	ssettag s2;
	_ =	strace s9  }
0x27: {  	s1 =	sld [smem:$0x3FAB]  }
0x28: {  	s2 =	sld [smem:$0x3FAC]  }
0x29: {  	s4 =	sld [smem:$0x3FAE]  }
0x2a: {  	p0 =	seq.s32 s5, $0x0;
	s5 =	sld [smem:$0x3FAF]  }
0x2b: {  	s6 =	sld [smem:$0x3FB0]  }
0x2c: {  	s7 =	sld [smem:$0x3FB1]  }
0x2d: {  	s3 =	simm.s32 $0x108;
	s8 =	sld [smem:$0x3FB2]  }
0x2e: {  	s3 =	simm.s32 @!p0 $0x1082;
	s9 =	sld [smem:$0x3FB3]  }
0x2f: {  	lr =	sadd.s32 s0, s3;
	s0 =	sld [smem:$0x3FAA]  }
0x30: {  	s3 =	sld [smem:$0x3FAD]  }
0x31: {  	[smem:$0x3FB6] =	sst s10  }
0x32: {  	s10 =	sld [smem:$0x3FB4];
	_ =	sdelay $0x3  }
0x33: {  	p0 =	seq.s32 s10, $0x1;
	s10 =	sld [smem:$0x3FB6];
	_ =	sdelay $0x3  }
0x34: {  	[smem:$0x3FB6] =	sst s10  }
0x35: {  	s10 =	sld [smem:$0x3FB5];
	_ =	sdelay $0x3  }
0x36: {  	p1 =	seq.s32 s10, $0x1;
	s10 =	sld [smem:$0x3FB6];
	_ =	sdelay $0x3  }
0x37: {  	[smem:$0x3FB6] =	sst s10  }
0x38: {  	s10 =	sld [smem:$0x3FB7]  }
0x39: {  	_ = 	snop;
	(pc) =	sbr.ind lr, $3  }
0x3a: {  	_ = 	snop  }
0x3b: {  	_ = 	snop  }
0x3c: {  	p2 =	seq.s32 s10, $0x1;
	s10 =	sld [smem:$0x3FB6]  }
0x3d: {  	_ =	shalt  }
0x3e: {  	_ =	shalt  }
0x3f: {  	_ =	shalt  }
0x40: {  	_ =	shalt  }
0x41: {  	_ =	shalt  }
0x42: {  	_ =	shalt  }
0x43: {  	_ =	shalt  }
0x44: {  	_ =	shalt  }
0x45: {  	_ =	shalt  }
0x46: {  	_ =	shalt  }
0x47: {  	_ =	shalt  }
0x48: {  	_ =	shalt  }
0x49: {  	_ =	shalt  }
0x4a: {  	_ =	shalt  }
0x4b: {  	_ =	shalt  }
0x4c: {  	_ =	shalt  }
0x4d: {  	_ =	shalt  }
0x4e: {  	_ =	shalt  }
0x4f: {  	_ =	shalt  }
0x50: {  	_ =	shalt  }
0x51: {  	_ =	shalt  }
0x52: {  	_ =	shalt  }
0x53: {  	_ =	shalt  }
0x54: {  	_ =	shalt  }
0x55: {  	_ =	shalt  }
0x56: {  	_ =	shalt  }
0x57: {  	_ =	shalt  }
0x58: {  	_ =	shalt  }
0x59: {  	_ =	shalt  }
0x5a: {  	_ =	shalt  }
0x5b: {  	_ =	shalt  }
0x5c: {  	_ =	shalt  }
0x5d: {  	_ =	shalt  }
0x5e: {  	_ =	shalt  }
0x5f: {  	_ =	shalt  }
0x60: {  	_ =	shalt  }
0x61: {  	_ =	shalt  }
0x62: {  	_ =	shalt  }
0x63: {  	_ =	shalt  }
0x64: {  	_ =	shalt  }
0x65: {  	_ =	shalt  }
0x66: {  	_ =	shalt  }
0x67: {  	_ =	shalt  }
0x68: {  	_ =	shalt  }
0x69: {  	_ =	shalt  }
0x6a: {  	_ =	shalt  }
0x6b: {  	_ =	shalt  }
0x6c: {  	_ =	shalt  }
0x6d: {  	_ =	shalt  }
0x6e: {  	_ =	shalt  }
0x6f: {  	_ =	shalt  }
0x70: {  	_ =	shalt  }
0x71: {  	_ =	shalt  }
0x72: {  	_ =	shalt  }
0x73: {  	_ =	shalt  }
0x74: {  	_ =	shalt  }
0x75: {  	_ =	shalt  }
0x76: {  	_ =	shalt  }
0x77: {  	_ =	shalt  }
0x78: {  	_ =	shalt  }
0x79: {  	_ =	shalt  }
0x7a: {  	_ =	shalt  }
0x7b: {  	_ =	shalt  }
0x7c: {  	_ =	shalt  }
0x7d: {  	_ =	shalt  }
0x7e: {  	_ =	shalt  }
0x7f: {  	_ =	shalt  }
0x80: {  	_ =	shalt  }
0x81: {  	_ =	shalt  }
0x82: {  	_ =	shalt  }
0x83: {  	_ =	shalt  }
0x84: {  	_ =	shalt  }
0x85: {  	_ =	shalt  }
0x86: {  	_ =	shalt  }
0x87: {  	_ =	shalt  }
.Lfunc_end0:
.L_simem_size_0:
called_computation.1_lowered:
.L_overlay_start_0:
0x88: {  	s2 =	sld [smem:$0x3FD9]  }
0x89: {  	s3 =	sld [smem:$0x3FFE];
	_ =	sdelay $0x1  }
0x8a: {  	s1 =	srdreg.scid  }
0x8b: {  	s0 =	sand.u32 $0x1, s1  }
0x8c: {  	s14 =	sshll.u32 s0, $0xA;
	s2 =	sadd.s32 s3, s2  }
0x8d: {  	s2 =	sadd.s32 s2, s14  }
0x8e: {  	[smem:$0x3FC2] =	sst s2  }
0x8f: {  	_ = 	snop  }
0x90: {  	s2 =	sld [smem:$0x3FD0];
	_ =	sdelay $0x2  }
0x91: {  	s15 =	simm.s32 $0xA;
	s4 =	simm.s32 $0x10  }
0x92: {  	[smem:s4], [sflag:s15] =	dma.local [hbm:s2], $0x1  }
0x93: {  	_ =	swait.eq [sflag:s15], $0x1  }
0x94: {  	[sflag:s15] =	ssyncset.done $0x0  }
0x95: {  	[sflag:s15] =	ssyncadd.s32 $0xFFFFFFFF  }
0x96: {  	s16 =	sld [smem:$0x10];
	(tm) =	ssettm $0x1  }
0x97: {  	s17 =	sld [smem:$0x3FFB];
	_ =	sdelay $0x3  }
0x98: {  	_ =	strace s17  }
0x99: {  	s3 =	sld [smem:$0x3FFC];
	_ =	sdelay $0x3  }
0x9a: {  	_ =	strace s3  }
0x9b: {  	s3 =	sld [smem:$0x3FFD];
	_ =	sdelay $0x3  }
0x9c: {  	_ =	strace s3  }
0x9d: {  	_ =	strace $0x8FFFFFFF  }
0x9e: {  	s18 =	sld [smem:$0x3FDB];
	_ =	sdelay $0x1  }
0x9f: {  	s19 =	simm.s32 $_scs_section_size  }
0xa0: {  	s5 =	simm.s32 $_size__tile_overlayer_lowered;
	s6 =	simm.s32 $_tile_overlayer_lowered  }
0xa1: {  	s22 =	simm.s32 $0x1BFF;
	s21 =	sshll.u32 s6, $0x1;
	s3 =	sadd.s32 s19, s18  }
0xa2: {  	s7 =	simm.s32 $0x0;
	s20 =	sshll.u32 s5, $0x1;
	s5 =	sadd.s32 s21, s3  }
0xa3: {  	[timem:s7], [sflag:s22] =	dma.local [hbm:s5], s20  }
0xa4: {  	_ =	swait.ge [sflag:s22], s20  }
0xa5: {  	s4 =	ssub.s32 $0x0, s20;
	[sflag:s22] =	ssyncset.done $0x0  }
0xa6: {  	[sflag:s22] =	ssyncadd.s32 s4;
	_ =	sdelay $0x1  }
0xa7: {  	s23 =	simm.s32 $0x1B8B  }
0xa8: {  	_ =	swait.ge [sflag:s23], $0x1  }
0xa9: {  	[sflag:s23] =	ssyncset.done $0x0  }
0xaa: {  	s25 =	simm.s32 $0x1B8E;
	s24 =	sld [smem:$0x3FFE];
	[sflag:s23] =	ssyncadd.s32 $0xFFFFFFFF  }
0xab: {  	s26 =	simm.s32 $execute0_lowered;
	[smem:$0x3FD2] =	sst s25  }
0xac: {  	s5 =	sshll.u32 s26, $0x1;
	_ =	strace $0x80000049;
	[dreg:$0x1] =	wrdreg $0xFFFFFFFF  }
0xad: {  	s28 =	simm.s32 $_size_execute0_lowered;
	s3 =	sadd.s32 s3, s5;
	[dreg:$0x0] =	wrdreg $0x0  }
0xae: {  	s5 =	sshll.u32 s28, $0x1;
	[dreg:$0x2] =	wrdreg s3  }
0xaf: {  	[dreg:$0x3] =	wrdreg s5  }
0xb0: {  	[dreg:$0x4] =	wrdreg $0xC0  }
0xb1: {  	_ =	task [dreg:s7], $0x5FFFF  }
0xb2: {  	[dreg:$0x1] =	wrdreg $0xFFFFFFFF  }
0xb3: {  	[dreg:$0x0] =	wrdreg $0x60  }
0xb4: {  	[dreg:$0x2] =	wrdreg s16  }
0xb5: {  	[dreg:$0x3] =	wrdreg s24  }
0xb6: {  	[dreg:$0x4] =	wrdreg $0xF7100  }
0xb7: {  	[dreg:$0x5] =	wrdreg $0x9  }
0xb8: {  	_ =	task.clear_ibuf [dreg:s7], $0x6FFFF;
	_ =	strace $0x90000049  }
0xb9: {  	s29 =	simm.s32 $0x9;
	_ =	strace $0x8000004B  }
0xba: {  	_ =	swait.ge [sflag:s29], $0x1  }
0xbb: {  	[sflag:s29] =	ssyncadd.s32 $0xFFFFFFFF  }
0xbc: {  	_ =	strace $0x9000004B  }
0xbd: {  	_ =	sfence  }
0xbe: {  	s30 =	sld [smem:$0x0];
	_ =	sdelay $0x2  }
0xbf: {  	s31 =	sshll.u32 s1, $0xD;
	s1 =	sshrl.u32 s1, $0x2  }
0xc0: {  	s3 =	sand.u32 $0x4000, s31;
	s1 =	sadd.s32 s1, s30  }
0xc1: {  	s0 =	sor.u32 s3, s0;
	s1 =	sshll.u32 s1, $0x11  }
0xc2: {  	s0 =	sor.u32 s1, s0  }
0xc3: {  	s0 =	sadd.s32 $0x8F2B, s0  }
0xc4: {  	[sflag:s0] =	ssyncadd.remote.s32 $0x1  }
0xc5: {  	_ =	sfence.sel $0xFFFF  }
0xc6: {  	[dreg:$0x0] =	wrdreg $0xFFFFFFFF;
	(pc) =	sbr.abs _section_cstart, $3  }
0xc7: {  	[dreg:$0x1] =	wrdreg $0xFFFFFFFF  }
0xc8: {  	_ =	task.clear_ibuf [dreg:s7], $0x2FFFF;
	_ =	strace $0x9FFFFFFF  }
0xc9: {  	(tm) =	ssettm $0x7FFFFFFF  }
tec
execute0_lowered:
.L_overlay_start_1:
0x0: {  	(tag) =	ssettag $0x1  }
0x1: {  	s0 =	srdreg.scid;
	s1 =	rddreg [dreg:$0x0]  }
0x2: {  	s8 =	stileid.u32;
	s5 =	rddreg [dreg:$0x1]  }
0x3: {  	s3 =	rddreg [dreg:$0x2];
	s4 =	simm.s32 $0x0;
	s10 =	simm.s32 $0xD000  }
0x4: {  	s11 =	simm.s32 $0x3;
	s12 =	simm.s32 $0x2800;
	s13 =	simm.s32 $0x80  }
0x5: {  	s14 =	simm.s32 $0x5000;
	s15 =	simm.s32 $0x5800;
	s22 =	simm.s32 $0xB800  }
0x6: {  	s23 =	simm.s32 $0x1;
	s24 =	simm.s32 $0x700;
	s25 =	simm.s32 $0xC000  }
0x7: {  	s28 =	simm.s32 $0x780;
	s29 =	simm.s32 $0xC800;
	s30 =	simm.s32 $0x2  }
0x8: {  	s31 =	simm.s32 $0x0;
	s0 =	sand.u32 $0x1, s0;
	s7 =	smul.u32 $0x2710, s8  }
0x9: {  	s2 =	sshll.u32 s8, $0x1;
	[smem:$0x7FF] =	sst s4;
	s8 =	smul.u32 $0x9C40, s8  }
0xa: {  	s2 =	sor.u32 s0, s2;
	s6 =	smul.u32 $0x27100, s0;
	s0 =	ssub.s32 $0x2, s0  }
0xb: {  	_ =	strace $0x8000004A;
	s2 =	smul.u32 $0x500, s2;
	s26 =	sshrl.u32 s0, $0x1  }
0xc: {  	s8 =	sshrl.u32 s8, $0x2;
	s6 =	sadd.s32 s7, s6;
	s0 =	ssub.s32 s0, s26  }
0xd: {  	s26 =	simm.s32 $0x2880;
	s2 =	sadd.s32 s2, s5;
	s6 =	sshrl.u32 s6, $0x3  }
0xe: {  	s9 =	sadd.s32 s6, s5;
	s5 =	sadd.s32 s8, s3;
	s6 =	sadd.s32 $0xB400, s2  }
0xf: {  	v0 =	vimm.f32 $0.0e+00;
	s7 =	sadd.s32 $0x1400, s2;
	s8 =	sadd.s32 $0x15400, s9;
	s9 =	smax.u32 s0, $0x1  }
.LBB2_1:
0x10: {  	s0 =	simm.s32 $0x40;
	s2 =	simm.s32 $0x0  }
.LBB2_2:
0x11: {  	p0 =	sne.s32 s0, $0x9C00;
	[tilespmem:s2+$0xD000] =	vst v0;
	s2 =	smov.u32 s0;
	s0 =	sadd.s32 $0x40, s0  }
.Ltmp0:
0x12: {  	(pc) =	sbr.rel @p0 .LBB2_2-.Ltmp0, $2  }
0x13: {  	_ =	sdelay $0x2  }
0x14: {  	s2 =	sshra.s32 s2, $0x2  }
0x15: {  	[tilespmem:s2+$0xD000] =	vst v0  }
0x16: {  	[spmem:s5] =	stream.linear.scatter [tilespmem:s10], [sflag:$0x3], $0x2710, $0x38;
	[tilespmem:$0x12020] =	vst v63  }
0x17: {  	_ =	swait.ge [sflag:s11], $0x2710  }
0x18: {  	[sflag:s11] =	ssyncset.done $0x0  }
0x19: {  	[sflag:s11] =	ssyncadd.s32 $0xFFFFD8F0  }
0x1a: {  	[bflag:$0x0] =	sbarrier.arrive $0xFFFF  }
0x1b: {  	[tilespmem:s4], [sflag:$0x3] =	stream.linear.gather [hbm4b:s6+s4], $0x2800, $0x38;
	[tilespmem:$0x12020] =	vst v63  }
0x1c: {  	_ =	swait.ge [sflag:s11], $0x2800  }
0x1d: {  	[sflag:s11] =	ssyncset.done $0x0  }
0x1e: {  	[sflag:s11] =	ssyncadd.s32 $0xFFFFD800  }
0x1f: {  	[tilespmem:s12], [sflag:$0x3] =	stream.linear.gather [hbm4b:s7+s4], $0x2800, $0x38;
	[tilespmem:$0x12020] =	vst v63  }
0x20: {  	_ =	swait.ge [sflag:s11], $0x2800  }
0x21: {  	[sflag:s11] =	ssyncset.done $0x0  }
0x22: {  	[sflag:s11] =	ssyncadd.s32 $0xFFFFD800  }
0x23: {  	[tilespmem:s14], [sflag:$0x1] =	stream.indirect.gather [hbm4b:s1+s13], $0x10, s4, s13, $0xb8;
	[tilespmem:$0x12020] =	vst v63  }
0x24: {  	_ = 	snop  }
0x25: {  	[tilespmem:s15], [sflag:$0x1] =	stream.indirect.gather [hbm4b:s1+s13], $0x10, s13, s13, $0xb8;
	[tilespmem:$0x12020] =	vst v63  }
0x26: {  	s0 =	simm.s32 $0x100;
	s17 =	simm.s32 $0x6000  }
0x27: {  	[tilespmem:s17], [sflag:$0x1] =	stream.indirect.gather [hbm4b:s1+s13], $0x10, s0, s13, $0xb8;
	[tilespmem:$0x12020] =	vst v63  }
0x28: {  	s18 =	simm.s32 $0x180;
	s19 =	simm.s32 $0x6800  }
0x29: {  	[tilespmem:s19], [sflag:$0x1] =	stream.indirect.gather [hbm4b:s1+s13], $0x10, s18, s13, $0xb8;
	[tilespmem:$0x12020] =	vst v63  }
0x2a: {  	s20 =	simm.s32 $0x200;
	s21 =	simm.s32 $0x7000  }
0x2b: {  	[tilespmem:s21], [sflag:$0x1] =	stream.indirect.gather [hbm4b:s1+s13], $0x10, s20, s13, $0xb8;
	[tilespmem:$0x12020] =	vst v63  }
0x2c: {  	s16 =	simm.s32 $0x280;
	s17 =	simm.s32 $0x7800  }
0x2d: {  	[tilespmem:s17], [sflag:$0x1] =	stream.indirect.gather [hbm4b:s1+s13], $0x10, s16, s13, $0xb8;
	[tilespmem:$0x12020] =	vst v63  }
0x2e: {  	s18 =	simm.s32 $0x300;
	s19 =	simm.s32 $0x8000  }
0x2f: {  	[tilespmem:s19], [sflag:$0x1] =	stream.indirect.gather [hbm4b:s1+s13], $0x10, s18, s13, $0xb8;
	[tilespmem:$0x12020] =	vst v63  }
0x30: {  	s20 =	simm.s32 $0x380;
	s21 =	simm.s32 $0x8800  }
0x31: {  	[tilespmem:s21], [sflag:$0x1] =	stream.indirect.gather [hbm4b:s1+s13], $0x10, s20, s13, $0xb8;
	[tilespmem:$0x12020] =	vst v63  }
0x32: {  	s16 =	simm.s32 $0x400;
	s17 =	simm.s32 $0x9000  }
0x33: {  	[tilespmem:s17], [sflag:$0x1] =	stream.indirect.gather [hbm4b:s1+s13], $0x10, s16, s13, $0xb8;
	[tilespmem:$0x12020] =	vst v63  }
0x34: {  	s18 =	simm.s32 $0x480;
	s19 =	simm.s32 $0x9800  }
0x35: {  	[tilespmem:s19], [sflag:$0x1] =	stream.indirect.gather [hbm4b:s1+s13], $0x10, s18, s13, $0xb8;
	[tilespmem:$0x12020] =	vst v63  }
0x36: {  	s20 =	simm.s32 $0x500;
	s21 =	simm.s32 $0xA000  }
0x37: {  	[tilespmem:s21], [sflag:$0x1] =	stream.indirect.gather [hbm4b:s1+s13], $0x10, s20, s13, $0xb8;
	[tilespmem:$0x12020] =	vst v63  }
0x38: {  	s16 =	simm.s32 $0x580;
	s17 =	simm.s32 $0xA800  }
0x39: {  	[tilespmem:s17], [sflag:$0x1] =	stream.indirect.gather [hbm4b:s1+s13], $0x10, s16, s13, $0xb8;
	[tilespmem:$0x12020] =	vst v63  }
0x3a: {  	s18 =	simm.s32 $0x600;
	s19 =	simm.s32 $0xB000  }
0x3b: {  	[tilespmem:s19], [sflag:$0x1] =	stream.indirect.gather [hbm4b:s1+s13], $0x10, s18, s13, $0xb8;
	[tilespmem:$0x12020] =	vst v63  }
0x3c: {  	s20 =	simm.s32 $0x680  }
0x3d: {  	[tilespmem:s22], [sflag:$0x1] =	stream.indirect.gather [hbm4b:s1+s13], $0x10, s20, s13, $0xb8;
	[tilespmem:$0x12020] =	vst v63  }
0x3e: {  	_ =	swait.ge [sflag:s23], $0x800  }
0x3f: {  	[sflag:s23] =	ssyncset.done $0x0  }
0x40: {  	[sflag:s23] =	ssyncadd.s32 $0xFFFFF800  }
0x41: {  	[spmem:s3] =	stream.indirect.scatter.add.f32 [tilespmem:s14], [sflag:$0x2], $0x10, s12, s13, $0xb8;
	[tilespmem:$0x12020] =	vst v63  }
0x42: {  	_ = 	snop  }
0x43: {  	[tilespmem:s25], [sflag:$0x1] =	stream.indirect.gather [hbm4b:s1+s13], $0x10, s24, s13, $0xb8;
	[tilespmem:$0x12020] =	vst v63  }
0x44: {  	_ =	swait.ge [sflag:s23], $0x800  }
0x45: {  	[sflag:s23] =	ssyncset.done $0x0  }
0x46: {  	s2 =	simm.s32 $0x800;
	[sflag:s23] =	ssyncadd.s32 $0xFFFFF800  }
0x47: {  	[spmem:s3] =	stream.indirect.scatter.add.f32 [tilespmem:s15], [sflag:$0x2], $0x10, s26, s13, $0xb8;
	[tilespmem:$0x12020] =	vst v63  }
0x48: {  	p0 =	por $0x0, $0x0;
	s0 =	simm.s32 $0x3;
	s21 =	simm.s32 $0x4000  }
0x49: {  	[tilespmem:s29], [sflag:$0x1] =	stream.indirect.gather [hbm4b:s1+s13], $0x10, s28, s13, $0xb8;
	[tilespmem:$0x12020] =	vst v63  }
0x4a: {  	s17 =	simm.s32 $0x20000;
	s16 =	sand.u32 $0x1E000, s21;
	_ =	swait.ge [sflag:s23], $0x800  }
0x4b: {  	s18 =	simm.s32 $0x2900;
	s19 =	sshrl.u32 s16, $0x2;
	[sflag:s23] =	ssyncset.done $0x0  }
0x4c: {  	s16 =	simm.s32 $0x2980;
	s19 =	sadd.s32 $0x5000, s19;
	[sflag:s23] =	ssyncadd.s32 $0xFFFFF800  }
0x4d: {  	[spmem:s3] =	stream.indirect.scatter.add.f32 [tilespmem:s19], [sflag:$0x2], $0x10, s18, s13, $0xb8;
	[tilespmem:$0x12020] =	vst v63  }
0x4e: {  	s20 =	simm.s32 @!p0 $0x80;
	s18 =	sand.u32 @!p0 $0x1E000, s17;
	_ =	swait.ge [sflag:s30], $0x800  }
0x4f: {  	s17 =	simm.s32 $0x880;
	s19 =	sshrl.u32 @!p0 s18, $0x2;
	[sflag:s30] =	ssyncset.done $0x0  }
0x50: {  	s18 =	simm.s32 $0x22000;
	s19 =	sadd.s32 @!p0 $0x5000, s19;
	[sflag:s30] =	ssyncadd.s32 $0xFFFFF800  }
.LBB2_4:
0x51: {  	[tilespmem:s19], [sflag:$0x1] =	stream.indirect.gather @!p0 [hbm4b:s1+s20], $0x10, s2, s20, $0xb8;
	[tilespmem:$0x12020] =	vst v63  }
0x52: {  	s19 =	smov.u32 s0;
	s20 =	smov.u32 s16;
	s2 =	smov.u32 s17  }
0x53: {  	s21 =	sadd.s32 $0xFFFE4000, s18;
	s0 =	sadd.s32 $0x1, s0;
	_ =	swait.ge [sflag:s23], $0x800  }
0x54: {  	s21 =	sand.u32 $0x1E000, s21;
	p1 =	sne.s32 s0, $0x50;
	[sflag:s23] =	ssyncset.done $0x0  }
0x55: {  	s16 =	sadd.s32 $0x80, s16;
	s21 =	sshrl.u32 s21, $0x2;
	[sflag:s23] =	ssyncadd.s32 $0xFFFFF800  }
.Ltmp1:
0x56: {  	p0 =	sgt.u32 s19, $0x41;
	s21 =	sadd.s32 $0x5000, s21;
	(pc) =	sbr.rel @p1 .LBB2_4-.Ltmp1, $4  }
0x57: {  	[spmem:s3] =	stream.indirect.scatter.add.f32 [tilespmem:s21], [sflag:$0x2], $0x10, s20, s13, $0xb8;
	[tilespmem:$0x12020] =	vst v63  }
0x58: {  	s17 =	sadd.s32 $0x80, s17;
	s19 =	sand.u32 @!p0 $0x1E000, s18;
	_ =	swait.ge [sflag:s30], $0x800  }
0x59: {  	s18 =	sadd.s32 $0x2000, s18;
	s19 =	sshrl.u32 @!p0 s19, $0x2;
	[sflag:s30] =	ssyncset.done $0x0  }
0x5a: {  	s19 =	sadd.s32 @!p0 $0x5000, s19;
	s20 =	simm.s32 @!p0 $0x80;
	[sflag:s30] =	ssyncadd.s32 $0xFFFFF800  }
0x5b: {  	[tilespmem:s19], [sflag:$0x1] =	stream.indirect.gather @!p0 [hbm4b:s1+s20], $0x10, s2, s20, $0xb8;
	[tilespmem:$0x12020] =	vst v63  }
0x5c: {  	_ =	swait.ge [sflag:s30], $0x800  }
0x5d: {  	[sflag:s30] =	ssyncset.done $0x0  }
0x5e: {  	[sflag:s30] =	ssyncadd.s32 $0xFFFFF800  }
0x5f: {  	_ =	swait.ge [sflag:s30], $0x800  }
0x60: {  	[sflag:s30] =	ssyncset.done $0x0  }
0x61: {  	[sflag:s30] =	ssyncadd.s32 $0xFFFFF800  }
0x62: {  	[bflag:$0x0] =	sbarrier.arrive $0xFFFF  }
0x63: {  	[tilespmem:s10], [sflag:$0x3] =	stream.linear.gather [spmem:s5], $0x2710, $0x38;
	[tilespmem:$0x12020] =	vst v63  }
0x64: {  	s31 =	sadd.s32 $0x1, s31;
	_ =	swait.ge [sflag:s11], $0x2710  }
0x65: {  	p0 =	sne.s32 s31, s9;
	[sflag:s11] =	ssyncset.done $0x0  }
.Ltmp2:
0x66: {  	[sflag:s11] =	ssyncadd.s32 $0xFFFFD8F0;
	(pc) =	sbr.rel @p0 .LBB2_1-.Ltmp2, $4  }
0x67: {  	[hbm4b:s8+s4] =	stream.linear.scatter [tilespmem:s10], [sflag:$0x3], $0x2710, $0x38;
	[tilespmem:$0x12020] =	vst v63  }
0x68: {  	_ =	swait.ge [sflag:s11], $0x2710  }
0x69: {  	[sflag:s11] =	ssyncset.done $0x0  }
0x6a: {  	[sflag:s11] =	ssyncadd.s32 $0xFFFFD8F0  }
0x6b: {  	_ =	sfence.sel $0x180000  }
0x6c: {  	[bflag:$0x0] =	sbarrier.arrive $0xFFFF  }
0x6d: {  	_ =	strace $0x9000004A  }
0x6e: {  	s0 =	stileid.u32;
	[bflag:$0x2] =	sbarrier.arrive $0xFFFF  }
0x6f: {  	p0 =	sne.s32 s0, $0x0;
	s0 =	rddreg [dreg:$0x3]  }
0x70: {  	s0 =	sadd.s32 @!p0 $0x100000, s0  }
0x71: {  	[sflag:s0] =	ssyncadd.tile.s32 @!p0 $0x1;
	_ =	shalt  }
.Lfunc_end2:
_tile_overlayer_lowered:
.L_overlay_start_2:
0x72: {  	(tag) =	ssettag $0x2  }
0x73: {  	s0 =	rddreg [dreg:$0x0];
	s2 =	stileid.u32  }
0x74: {  	s1 =	rddreg [dreg:$0x1];
	p0 =	sne.s32 s2, $0x0  }
0x75: {  	s3 =	rddreg [dreg:$0x2];
	[bflag:$0x3] =	sbarrier.arrive $0xFFFF;
	s2 =	simm.s32 @!p0 $0x1C03  }
0x76: {  	[timem:s3], [sflag:s2] =	dma.local @!p0 [hbm:s0], s1  }
0x77: {  	s0 =	simm.s32 @!p0 $0x3  }
0x78: {  	_ =	swait.ge @!p0 [sflag:s0], s1  }
0x79: {  	s1 =	ssub.s32 @!p0 $0x0, s1;
	[sflag:s0] =	ssyncset.done @!p0 $0x0  }
0x7a: {  	[sflag:s0] =	ssyncadd.s32 @!p0 s1  }
0x7b: {  	[bflag:$0x3] =	sbarrier.arrive $0xFFFF  }
0x7c: {  	_ =	shalt  }

// kernel: kernel.14.cloned.1.call-start
scs
__scs_entry_jumppad:
0x0: {  	(pc) =	sbr.rel $0x88, $3  }
0x1: {  	(tag) =	ssettag $0x0;
	lr =	simm.s32 $0x1  }
0x2: {  	[smem:$0x3F9B] =	sst lr;
	_ =	strace $0xD0000000  }
0x3: {  	_ = 	snop  }
0x4: {  	_ = 	snop  }
0x5: {  	_ = 	snop  }
0x6: {  	_ = 	snop  }
0x7: {  	_ = 	snop  }
__scs_overlays_trampoline_lowered:
0x8: {  	[smem:$0x3FAA] =	sst s0  }
0x9: {  	[smem:$0x3FAB] =	sst s1  }
0xa: {  	[smem:$0x3FAC] =	sst s2  }
0xb: {  	[smem:$0x3FAD] =	sst s3  }
0xc: {  	[smem:$0x3FAE] =	sst s4  }
0xd: {  	[smem:$0x3FAF] =	sst s5  }
0xe: {  	[smem:$0x3FB0] =	sst s6  }
0xf: {  	[smem:$0x3FB1] =	sst s7  }
0x10: {  	[smem:$0x3FB2] =	sst s8  }
0x11: {  	[smem:$0x3FB3] =	sst s9;
	s0 =	simm.s32 @!p0 $0x0  }
0x12: {  	s1 =	sld [smem:$0x3F99];
	s0 =	simm.s32 @p0 $0x1  }
0x13: {  	[smem:$0x3FB4] =	sst s0;
	s0 =	simm.s32 @!p1 $0x0  }
0x14: {  	s2 =	sld [smem:$0x3F98];
	s0 =	simm.s32 @p1 $0x1  }
0x15: {  	[smem:$0x3FB5] =	sst s0;
	s0 =	simm.s32 @!p2 $0x0  }
0x16: {  	s3 =	sld [smem:$0x3FDB];
	s0 =	simm.s32 @p2 $0x1  }
0x17: {  	s4 =	simm.s32 $0x1BF5;
	[smem:$0x3FB7] =	sst s0  }
0x18: {  	s0 =	sld [smem:$0x3F9A];
	_ =	swait.ge [sflag:s4], $0x0  }
0x19: {  	s7 =	sld [smem:$0x3F9B]  }
0x1a: {  	s8 =	sadd.s32 $0xFFFFE003, lr  }
0x1b: {  	s9 =	sadd.s32 $0xFFFFFEF7, lr;
	s5 =	simm.s32 $0xFFFFFFFF;
	p2 =	slt.u32 s8, $0xFFFFF086  }
0x1c: {  	p1 =	slt.u32 s9, $0xF7A;
	s5 =	simm.s32 @!p2 $0x0  }
0x1d: {  	s5 =	simm.s32 @p1 $0x1;
	p0 =	seq.s32 s7, s2  }
0x1e: {  	s7 =	smul.u32 @!p0 $0xF7A, s2;
	p2 =	seq.s32 @!p0 s5, $0x0  }
0x1f: {  	s9 =	smul.u32 $0xF7A, s1;
	s8 =	simm.s32 @!p0 $0x1BF5;
	p2 =	por !p2, p0  }
0x20: {  	[sflag:s8] =	ssyncset.s32 @!p0 $0xFFFFF086;
	s6 =	sadd.s32 @!p0 s3, s7;
	s7 =	simm.s32 @!p0 $0x108  }
0x21: {  	s3 =	sadd.s32 s3, s9;
	s6 =	sadd.s32 @!p0 $0x88, s6;
	s7 =	simm.s32 @p2 $0x1082  }
0x22: {  	[simem:s7], [sflag:s8] =	dma.local @!p0 [hbm:s6], $0xF7A  }
0x23: {  	s9 =	sor.u32 $0xD0000000, s2;
	s6 =	simm.s32 $0x108;
	_ =	swait.ge @!p0 [sflag:s8], $0x0  }
0x24: {  	s3 =	sadd.s32 $0x88, s3;
	s6 =	simm.s32 @!p1 $0x1082;
	[sflag:s4] =	ssyncset.s32 $0xFFFFF086  }
0x25: {  	[simem:s6], [sflag:s4] =	dma.local [hbm:s3], $0xF7A  }
0x26: {  	[smem:$0x3F9B] =	sst s1;
	(tag) =	ssettag s2;
	_ =	strace s9  }
0x27: {  	s1 =	sld [smem:$0x3FAB]  }
0x28: {  	s2 =	sld [smem:$0x3FAC]  }
0x29: {  	s4 =	sld [smem:$0x3FAE]  }
0x2a: {  	p0 =	seq.s32 s5, $0x0;
	s5 =	sld [smem:$0x3FAF]  }
0x2b: {  	s6 =	sld [smem:$0x3FB0]  }
0x2c: {  	s7 =	sld [smem:$0x3FB1]  }
0x2d: {  	s3 =	simm.s32 $0x108;
	s8 =	sld [smem:$0x3FB2]  }
0x2e: {  	s3 =	simm.s32 @!p0 $0x1082;
	s9 =	sld [smem:$0x3FB3]  }
0x2f: {  	lr =	sadd.s32 s0, s3;
	s0 =	sld [smem:$0x3FAA]  }
0x30: {  	s3 =	sld [smem:$0x3FAD]  }
0x31: {  	[smem:$0x3FB6] =	sst s10  }
0x32: {  	s10 =	sld [smem:$0x3FB4];
	_ =	sdelay $0x3  }
0x33: {  	p0 =	seq.s32 s10, $0x1;
	s10 =	sld [smem:$0x3FB6];
	_ =	sdelay $0x3  }
0x34: {  	[smem:$0x3FB6] =	sst s10  }
0x35: {  	s10 =	sld [smem:$0x3FB5];
	_ =	sdelay $0x3  }
0x36: {  	p1 =	seq.s32 s10, $0x1;
	s10 =	sld [smem:$0x3FB6];
	_ =	sdelay $0x3  }
0x37: {  	[smem:$0x3FB6] =	sst s10  }
0x38: {  	s10 =	sld [smem:$0x3FB7]  }
0x39: {  	_ = 	snop;
	(pc) =	sbr.ind lr, $3  }
0x3a: {  	_ = 	snop  }
0x3b: {  	_ = 	snop  }
0x3c: {  	p2 =	seq.s32 s10, $0x1;
	s10 =	sld [smem:$0x3FB6]  }
0x3d: {  	_ =	shalt  }
0x3e: {  	_ =	shalt  }
0x3f: {  	_ =	shalt  }
0x40: {  	_ =	shalt  }
0x41: {  	_ =	shalt  }
0x42: {  	_ =	shalt  }
0x43: {  	_ =	shalt  }
0x44: {  	_ =	shalt  }
0x45: {  	_ =	shalt  }
0x46: {  	_ =	shalt  }
0x47: {  	_ =	shalt  }
0x48: {  	_ =	shalt  }
0x49: {  	_ =	shalt  }
0x4a: {  	_ =	shalt  }
0x4b: {  	_ =	shalt  }
0x4c: {  	_ =	shalt  }
0x4d: {  	_ =	shalt  }
0x4e: {  	_ =	shalt  }
0x4f: {  	_ =	shalt  }
0x50: {  	_ =	shalt  }
0x51: {  	_ =	shalt  }
0x52: {  	_ =	shalt  }
0x53: {  	_ =	shalt  }
0x54: {  	_ =	shalt  }
0x55: {  	_ =	shalt  }
0x56: {  	_ =	shalt  }
0x57: {  	_ =	shalt  }
0x58: {  	_ =	shalt  }
0x59: {  	_ =	shalt  }
0x5a: {  	_ =	shalt  }
0x5b: {  	_ =	shalt  }
0x5c: {  	_ =	shalt  }
0x5d: {  	_ =	shalt  }
0x5e: {  	_ =	shalt  }
0x5f: {  	_ =	shalt  }
0x60: {  	_ =	shalt  }
0x61: {  	_ =	shalt  }
0x62: {  	_ =	shalt  }
0x63: {  	_ =	shalt  }
0x64: {  	_ =	shalt  }
0x65: {  	_ =	shalt  }
0x66: {  	_ =	shalt  }
0x67: {  	_ =	shalt  }
0x68: {  	_ =	shalt  }
0x69: {  	_ =	shalt  }
0x6a: {  	_ =	shalt  }
0x6b: {  	_ =	shalt  }
0x6c: {  	_ =	shalt  }
0x6d: {  	_ =	shalt  }
0x6e: {  	_ =	shalt  }
0x6f: {  	_ =	shalt  }
0x70: {  	_ =	shalt  }
0x71: {  	_ =	shalt  }
0x72: {  	_ =	shalt  }
0x73: {  	_ =	shalt  }
0x74: {  	_ =	shalt  }
0x75: {  	_ =	shalt  }
0x76: {  	_ =	shalt  }
0x77: {  	_ =	shalt  }
0x78: {  	_ =	shalt  }
0x79: {  	_ =	shalt  }
0x7a: {  	_ =	shalt  }
0x7b: {  	_ =	shalt  }
0x7c: {  	_ =	shalt  }
0x7d: {  	_ =	shalt  }
0x7e: {  	_ =	shalt  }
0x7f: {  	_ =	shalt  }
0x80: {  	_ =	shalt  }
0x81: {  	_ =	shalt  }
0x82: {  	_ =	shalt  }
0x83: {  	_ =	shalt  }
0x84: {  	_ =	shalt  }
0x85: {  	_ =	shalt  }
0x86: {  	_ =	shalt  }
0x87: {  	_ =	shalt  }
.Lfunc_end0:
.L_simem_size_0:
called_computation.2_lowered:
.L_overlay_start_0:
0x88: {  	s2 =	sld [smem:$0x3FD9]  }
0x89: {  	s3 =	sld [smem:$0x3FFE];
	_ =	sdelay $0x1  }
0x8a: {  	s1 =	srdreg.scid  }
0x8b: {  	s0 =	sand.u32 $0x1, s1  }
0x8c: {  	s16 =	sshll.u32 s0, $0xA;
	s2 =	sadd.s32 s3, s2  }
0x8d: {  	s2 =	sadd.s32 s2, s16  }
0x8e: {  	[smem:$0x3FC2] =	sst s2  }
0x8f: {  	_ = 	snop  }
0x90: {  	(tm) =	ssettm $0x1  }
0x91: {  	s17 =	sld [smem:$0x3FFB];
	_ =	sdelay $0x3  }
0x92: {  	_ =	strace s17  }
0x93: {  	s2 =	sld [smem:$0x3FFC];
	_ =	sdelay $0x3  }
0x94: {  	_ =	strace s2  }
0x95: {  	s2 =	sld [smem:$0x3FFD];
	_ =	sdelay $0x3  }
0x96: {  	_ =	strace s2  }
0x97: {  	_ =	strace $0x8FFFFFFF  }
0x98: {  	s18 =	sld [smem:$0x3FDB];
	_ =	sdelay $0x1  }
0x99: {  	s19 =	simm.s32 $_scs_section_size  }
0x9a: {  	s4 =	simm.s32 $_size__tile_overlayer_lowered;
	s5 =	simm.s32 $_tile_overlayer_lowered  }
0x9b: {  	s22 =	simm.s32 $0x1BFF;
	s21 =	sshll.u32 s5, $0x1;
	s2 =	sadd.s32 s19, s18  }
0x9c: {  	s6 =	simm.s32 $0x0;
	s20 =	sshll.u32 s4, $0x1;
	s4 =	sadd.s32 s21, s2  }
0x9d: {  	[timem:s6], [sflag:s22] =	dma.local [hbm:s4], s20  }
0x9e: {  	_ =	swait.ge [sflag:s22], s20  }
0x9f: {  	s3 =	ssub.s32 $0x0, s20;
	[sflag:s22] =	ssyncset.done $0x0  }
0xa0: {  	[sflag:s22] =	ssyncadd.s32 s3;
	_ =	sdelay $0x1  }
0xa1: {  	s23 =	simm.s32 $0x1B8B  }
0xa2: {  	_ =	swait.ge [sflag:s23], $0x1  }
0xa3: {  	[sflag:s23] =	ssyncset.done $0x0  }
0xa4: {  	s25 =	simm.s32 $0x1B8E;
	s24 =	sld [smem:$0x3FFE];
	[sflag:s23] =	ssyncadd.s32 $0xFFFFFFFF  }
0xa5: {  	s26 =	simm.s32 $execute0_lowered;
	[smem:$0x3FD2] =	sst s25  }
0xa6: {  	s4 =	sshll.u32 s26, $0x1;
	_ =	strace $0x8000004C;
	[dreg:$0x1] =	wrdreg $0xFFFFFFFF  }
0xa7: {  	s28 =	simm.s32 $_size_execute0_lowered;
	s2 =	sadd.s32 s2, s4;
	[dreg:$0x0] =	wrdreg $0x0  }
0xa8: {  	s4 =	sshll.u32 s28, $0x1;
	[dreg:$0x2] =	wrdreg s2  }
0xa9: {  	[dreg:$0x3] =	wrdreg s4  }
0xaa: {  	[dreg:$0x4] =	wrdreg $0xC0  }
0xab: {  	_ =	task [dreg:s6], $0x5FFFF  }
0xac: {  	[dreg:$0x1] =	wrdreg $0xFFFFFFFF  }
0xad: {  	[dreg:$0x0] =	wrdreg $0x60  }
0xae: {  	[dreg:$0x2] =	wrdreg s24  }
0xaf: {  	[dreg:$0x3] =	wrdreg $0xF7100  }
0xb0: {  	[dreg:$0x4] =	wrdreg $0x9  }
0xb1: {  	_ =	task.clear_ibuf [dreg:s6], $0x5FFFF;
	_ =	strace $0x9000004C  }
0xb2: {  	s29 =	simm.s32 $0x9;
	_ =	strace $0x8000004E  }
0xb3: {  	_ =	swait.ge [sflag:s29], $0x1  }
0xb4: {  	[sflag:s29] =	ssyncadd.s32 $0xFFFFFFFF  }
0xb5: {  	_ =	strace $0x9000004E  }
0xb6: {  	_ =	sfence  }
0xb7: {  	s30 =	sld [smem:$0x0];
	_ =	sdelay $0x2  }
0xb8: {  	s31 =	sshll.u32 s1, $0xD;
	s1 =	sshrl.u32 s1, $0x2  }
0xb9: {  	s3 =	sand.u32 $0x4000, s31;
	s1 =	sadd.s32 s1, s30  }
0xba: {  	s0 =	sor.u32 s3, s0;
	s1 =	sshll.u32 s1, $0x11  }
0xbb: {  	s0 =	sor.u32 s1, s0  }
0xbc: {  	s0 =	sadd.s32 $0x8F2B, s0  }
0xbd: {  	[sflag:s0] =	ssyncadd.remote.s32 $0x1  }
0xbe: {  	_ =	sfence.sel $0xFFFF  }
0xbf: {  	[dreg:$0x0] =	wrdreg $0xFFFFFFFF;
	(pc) =	sbr.abs _section_cstart, $3  }
0xc0: {  	[dreg:$0x1] =	wrdreg $0xFFFFFFFF  }
0xc1: {  	_ =	task.clear_ibuf [dreg:s6], $0x2FFFF;
	_ =	strace $0x9FFFFFFF  }
0xc2: {  	(tm) =	ssettm $0x7FFFFFFF  }
0xc3: {  	_ =	shalt  }
tec
execute0_lowered:
.L_overlay_start_1:
0x0: {  	(tag) =	ssettag $0x1  }
0x1: {  	s0 =	srdreg.scid;
	s5 =	rddreg [dreg:$0x0]  }
0x2: {  	s8 =	stileid.u32;
	s2 =	rddreg [dreg:$0x1]  }
0x3: {  	s3 =	simm.s32 $0x0;
	s10 =	simm.s32 $0xD000;
	s11 =	simm.s32 $0x3  }
0x4: {  	s12 =	simm.s32 $0x2800;
	s13 =	simm.s32 $0x80;
	s14 =	simm.s32 $0x5000  }
0x5: {  	s15 =	simm.s32 $0x5800;
	s22 =	simm.s32 $0xB800;
	s23 =	simm.s32 $0x1  }
0x6: {  	s24 =	simm.s32 $0x700;
	s25 =	simm.s32 $0xC000;
	s28 =	simm.s32 $0x780  }
0x7: {  	s29 =	simm.s32 $0xC800;
	s30 =	simm.s32 $0x2;
	s31 =	simm.s32 $0x0  }
0x8: {  	s0 =	sand.u32 $0x1, s0;
	s1 =	sshll.u32 s8, $0x1;
	s7 =	smul.u32 $0x2710, s8  }
0x9: {  	[smem:$0x7FF] =	sst s3;
	s4 =	sadd.s32 $0x15400, s5;
	s8 =	smul.u32 $0x9C40, s8  }
0xa: {  	s1 =	sor.u32 s0, s1;
	s6 =	smul.u32 $0x27100, s0;
	s0 =	ssub.s32 $0x2, s0  }
0xb: {  	_ =	strace $0x8000004D;
	s1 =	smul.u32 $0x500, s1;
	s26 =	sshrl.u32 s0, $0x1  }
0xc: {  	s8 =	sshrl.u32 s8, $0x2;
	s6 =	sadd.s32 s7, s6;
	s0 =	ssub.s32 s0, s26  }
0xd: {  	s26 =	simm.s32 $0x2880;
	s1 =	sadd.s32 s1, s5;
	s6 =	sshrl.u32 s6, $0x3  }
0xe: {  	s9 =	sadd.s32 s6, s5;
	s5 =	sadd.s32 s8, s2;
	s6 =	sadd.s32 $0xB400, s1  }
0xf: {  	v0 =	vimm.f32 $0.0e+00;
	s7 =	sadd.s32 $0x1400, s1;
	s8 =	sadd.s32 $0x1A400, s9;
	s9 =	smax.u32 s0, $0x1  }
.LBB2_1:
0x10: {  	s0 =	simm.s32 $0x40;
	s1 =	simm.s32 $0x0  }
.LBB2_2:
0x11: {  	p0 =	sne.s32 s0, $0x9C00;
	[tilespmem:s1+$0xD000] =	vst v0;
	s1 =	smov.u32 s0;
	s0 =	sadd.s32 $0x40, s0  }
.Ltmp0:
0x12: {  	(pc) =	sbr.rel @p0 .LBB2_2-.Ltmp0, $2  }
0x13: {  	_ =	sdelay $0x2  }
0x14: {  	s1 =	sshra.s32 s1, $0x2  }
0x15: {  	[tilespmem:s1+$0xD000] =	vst v0  }
0x16: {  	[spmem:s5] =	stream.linear.scatter [tilespmem:s10], [sflag:$0x3], $0x2710, $0x38;
	[tilespmem:$0x12020] =	vst v63  }
0x17: {  	_ =	swait.ge [sflag:s11], $0x2710  }
0x18: {  	[sflag:s11] =	ssyncset.done $0x0  }
0x19: {  	[sflag:s11] =	ssyncadd.s32 $0xFFFFD8F0  }
0x1a: {  	[bflag:$0x0] =	sbarrier.arrive $0xFFFF  }
0x1b: {  	[tilespmem:s3], [sflag:$0x3] =	stream.linear.gather [hbm4b:s6+s3], $0x2800, $0x38;
	[tilespmem:$0x12020] =	vst v63  }
0x1c: {  	_ =	swait.ge [sflag:s11], $0x2800  }
0x1d: {  	[sflag:s11] =	ssyncset.done $0x0  }
0x1e: {  	[sflag:s11] =	ssyncadd.s32 $0xFFFFD800  }
0x1f: {  	[tilespmem:s12], [sflag:$0x3] =	stream.linear.gather [hbm4b:s7+s3], $0x2800, $0x38;
	[tilespmem:$0x12020] =	vst v63  }
0x20: {  	_ =	swait.ge [sflag:s11], $0x2800  }
0x21: {  	[sflag:s11] =	ssyncset.done $0x0  }
0x22: {  	[sflag:s11] =	ssyncadd.s32 $0xFFFFD800  }
0x23: {  	[tilespmem:s14], [sflag:$0x1] =	stream.indirect.gather [hbm4b:s4+s13], $0x10, s3, s13, $0xb8;
	[tilespmem:$0x12020] =	vst v63  }
0x24: {  	_ = 	snop  }
0x25: {  	[tilespmem:s15], [sflag:$0x1] =	stream.indirect.gather [hbm4b:s4+s13], $0x10, s13, s13, $0xb8;
	[tilespmem:$0x12020] =	vst v63  }
0x26: {  	s0 =	simm.s32 $0x100;
	s17 =	simm.s32 $0x6000  }
0x27: {  	[tilespmem:s17], [sflag:$0x1] =	stream.indirect.gather [hbm4b:s4+s13], $0x10, s0, s13, $0xb8;
	[tilespmem:$0x12020] =	vst v63  }
0x28: {  	s18 =	simm.s32 $0x180;
	s19 =	simm.s32 $0x6800  }
0x29: {  	[tilespmem:s19], [sflag:$0x1] =	stream.indirect.gather [hbm4b:s4+s13], $0x10, s18, s13, $0xb8;
	[tilespmem:$0x12020] =	vst v63  }
0x2a: {  	s20 =	simm.s32 $0x200;
	s21 =	simm.s32 $0x7000  }
0x2b: {  	[tilespmem:s21], [sflag:$0x1] =	stream.indirect.gather [hbm4b:s4+s13], $0x10, s20, s13, $0xb8;
	[tilespmem:$0x12020] =	vst v63  }
0x2c: {  	s16 =	simm.s32 $0x280;
	s17 =	simm.s32 $0x7800  }
0x2d: {  	[tilespmem:s17], [sflag:$0x1] =	stream.indirect.gather [hbm4b:s4+s13], $0x10, s16, s13, $0xb8;
	[tilespmem:$0x12020] =	vst v63  }
0x2e: {  	s18 =	simm.s32 $0x300;
	s19 =	simm.s32 $0x8000  }
0x2f: {  	[tilespmem:s19], [sflag:$0x1] =	stream.indirect.gather [hbm4b:s4+s13], $0x10, s18, s13, $0xb8;
	[tilespmem:$0x12020] =	vst v63  }
0x30: {  	s20 =	simm.s32 $0x380;
	s21 =	simm.s32 $0x8800  }
0x31: {  	[tilespmem:s21], [sflag:$0x1] =	stream.indirect.gather [hbm4b:s4+s13], $0x10, s20, s13, $0xb8;
	[tilespmem:$0x12020] =	vst v63  }
0x32: {  	s16 =	simm.s32 $0x400;
	s17 =	simm.s32 $0x9000  }
0x33: {  	[tilespmem:s17], [sflag:$0x1] =	stream.indirect.gather [hbm4b:s4+s13], $0x10, s16, s13, $0xb8;
	[tilespmem:$0x12020] =	vst v63  }
0x34: {  	s18 =	simm.s32 $0x480;
	s19 =	simm.s32 $0x9800  }
0x35: {  	[tilespmem:s19], [sflag:$0x1] =	stream.indirect.gather [hbm4b:s4+s13], $0x10, s18, s13, $0xb8;
	[tilespmem:$0x12020] =	vst v63  }
0x36: {  	s20 =	simm.s32 $0x500;
	s21 =	simm.s32 $0xA000  }
0x37: {  	[tilespmem:s21], [sflag:$0x1] =	stream.indirect.gather [hbm4b:s4+s13], $0x10, s20, s13, $0xb8;
	[tilespmem:$0x12020] =	vst v63  }
0x38: {  	s16 =	simm.s32 $0x580;
	s17 =	simm.s32 $0xA800  }
0x39: {  	[tilespmem:s17], [sflag:$0x1] =	stream.indirect.gather [hbm4b:s4+s13], $0x10, s16, s13, $0xb8;
	[tilespmem:$0x12020] =	vst v63  }
0x3a: {  	s18 =	simm.s32 $0x600;
	s19 =	simm.s32 $0xB000  }
0x3b: {  	[tilespmem:s19], [sflag:$0x1] =	stream.indirect.gather [hbm4b:s4+s13], $0x10, s18, s13, $0xb8;
	[tilespmem:$0x12020] =	vst v63  }
0x3c: {  	s20 =	simm.s32 $0x680  }
0x3d: {  	[tilespmem:s22], [sflag:$0x1] =	stream.indirect.gather [hbm4b:s4+s13], $0x10, s20, s13, $0xb8;
	[tilespmem:$0x12020] =	vst v63  }
0x3e: {  	_ =	swait.ge [sflag:s23], $0x800  }
0x3f: {  	[sflag:s23] =	ssyncset.done $0x0  }
0x40: {  	[sflag:s23] =	ssyncadd.s32 $0xFFFFF800  }
0x41: {  	[spmem:s2] =	stream.indirect.scatter.add.f32 [tilespmem:s14], [sflag:$0x2], $0x10, s12, s13, $0xb8;
	[tilespmem:$0x12020] =	vst v63  }
0x42: {  	_ = 	snop  }
0x43: {  	[tilespmem:s25], [sflag:$0x1] =	stream.indirect.gather [hbm4b:s4+s13], $0x10, s24, s13, $0xb8;
	[tilespmem:$0x12020] =	vst v63  }
0x44: {  	_ =	swait.ge [sflag:s23], $0x800  }
0x45: {  	[sflag:s23] =	ssyncset.done $0x0  }
0x46: {  	s1 =	simm.s32 $0x800;
	[sflag:s23] =	ssyncadd.s32 $0xFFFFF800  }
0x47: {  	[spmem:s2] =	stream.indirect.scatter.add.f32 [tilespmem:s15], [sflag:$0x2], $0x10, s26, s13, $0xb8;
	[tilespmem:$0x12020] =	vst v63  }
0x48: {  	p0 =	por $0x0, $0x0;
	s0 =	simm.s32 $0x3;
	s21 =	simm.s32 $0x4000  }
0x49: {  	[tilespmem:s29], [sflag:$0x1] =	stream.indirect.gather [hbm4b:s4+s13], $0x10, s28, s13, $0xb8;
	[tilespmem:$0x12020] =	vst v63  }
0x4a: {  	s17 =	simm.s32 $0x20000;
	s16 =	sand.u32 $0x1E000, s21;
	_ =	swait.ge [sflag:s23], $0x800  }
0x4b: {  	s18 =	simm.s32 $0x2900;
	s19 =	sshrl.u32 s16, $0x2;
	[sflag:s23] =	ssyncset.done $0x0  }
0x4c: {  	s16 =	simm.s32 $0x2980;
	s19 =	sadd.s32 $0x5000, s19;
	[sflag:s23] =	ssyncadd.s32 $0xFFFFF800  }
0x4d: {  	[spmem:s2] =	stream.indirect.scatter.add.f32 [tilespmem:s19], [sflag:$0x2], $0x10, s18, s13, $0xb8;
	[tilespmem:$0x12020] =	vst v63  }
0x4e: {  	s20 =	simm.s32 @!p0 $0x80;
	s18 =	sand.u32 @!p0 $0x1E000, s17;
	_ =	swait.ge [sflag:s30], $0x800  }
0x4f: {  	s17 =	simm.s32 $0x880;
	s19 =	sshrl.u32 @!p0 s18, $0x2;
	[sflag:s30] =	ssyncset.done $0x0  }
0x50: {  	s18 =	simm.s32 $0x22000;
	s19 =	sadd.s32 @!p0 $0x5000, s19;
	[sflag:s30] =	ssyncadd.s32 $0xFFFFF800  }
.LBB2_4:
0x51: {  	[tilespmem:s19], [sflag:$0x1] =	stream.indirect.gather @!p0 [hbm4b:s4+s20], $0x10, s1, s20, $0xb8;
	[tilespmem:$0x12020] =	vst v63  }
0x52: {  	s19 =	smov.u32 s0;
	s20 =	smov.u32 s16;
	s1 =	smov.u32 s17  }
0x53: {  	s21 =	sadd.s32 $0xFFFE4000, s18;
	s0 =	sadd.s32 $0x1, s0;
	_ =	swait.ge [sflag:s23], $0x800  }
0x54: {  	s21 =	sand.u32 $0x1E000, s21;
	p1 =	sne.s32 s0, $0x50;
	[sflag:s23] =	ssyncset.done $0x0  }
0x55: {  	s16 =	sadd.s32 $0x80, s16;
	s21 =	sshrl.u32 s21, $0x2;
	[sflag:s23] =	ssyncadd.s32 $0xFFFFF800  }
.Ltmp1:
0x56: {  	p0 =	sgt.u32 s19, $0x41;
	s21 =	sadd.s32 $0x5000, s21;
	(pc) =	sbr.rel @p1 .LBB2_4-.Ltmp1, $4  }
0x57: {  	[spmem:s2] =	stream.indirect.scatter.add.f32 [tilespmem:s21], [sflag:$0x2], $0x10, s20, s13, $0xb8;
	[tilespmem:$0x12020] =	vst v63  }
0x58: {  	s17 =	sadd.s32 $0x80, s17;
	s19 =	sand.u32 @!p0 $0x1E000, s18;
	_ =	swait.ge [sflag:s30], $0x800  }
0x59: {  	s18 =	sadd.s32 $0x2000, s18;
	s19 =	sshrl.u32 @!p0 s19, $0x2;
	[sflag:s30] =	ssyncset.done $0x0  }
0x5a: {  	s19 =	sadd.s32 @!p0 $0x5000, s19;
	s20 =	simm.s32 @!p0 $0x80;
	[sflag:s30] =	ssyncadd.s32 $0xFFFFF800  }
0x5b: {  	[tilespmem:s19], [sflag:$0x1] =	stream.indirect.gather @!p0 [hbm4b:s4+s20], $0x10, s1, s20, $0xb8;
	[tilespmem:$0x12020] =	vst v63  }
0x5c: {  	_ =	swait.ge [sflag:s30], $0x800  }
0x5d: {  	[sflag:s30] =	ssyncset.done $0x0  }
0x5e: {  	[sflag:s30] =	ssyncadd.s32 $0xFFFFF800  }
0x5f: {  	_ =	swait.ge [sflag:s30], $0x800  }
0x60: {  	[sflag:s30] =	ssyncset.done $0x0  }
0x61: {  	[sflag:s30] =	ssyncadd.s32 $0xFFFFF800  }
0x62: {  	[bflag:$0x0] =	sbarrier.arrive $0xFFFF  }
0x63: {  	[tilespmem:s10], [sflag:$0x3] =	stream.linear.gather [spmem:s5], $0x2710, $0x38;
	[tilespmem:$0x12020] =	vst v63  }
0x64: {  	s31 =	sadd.s32 $0x1, s31;
	_ =	swait.ge [sflag:s11], $0x2710  }
0x65: {  	p0 =	sne.s32 s31, s9;
	[sflag:s11] =	ssyncset.done $0x0  }
.Ltmp2:
0x66: {  	[sflag:s11] =	ssyncadd.s32 $0xFFFFD8F0;
	(pc) =	sbr.rel @p0 .LBB2_1-.Ltmp2, $4  }
0x67: {  	[hbm4b:s8+s3] =	stream.linear.scatter [tilespmem:s10], [sflag:$0x3], $0x2710, $0x38;
	[tilespmem:$0x12020] =	vst v63  }
0x68: {  	_ =	swait.ge [sflag:s11], $0x2710  }
0x69: {  	[sflag:s11] =	ssyncset.done $0x0  }
0x6a: {  	[sflag:s11] =	ssyncadd.s32 $0xFFFFD8F0  }
0x6b: {  	_ =	sfence.sel $0x180000  }
0x6c: {  	[bflag:$0x0] =	sbarrier.arrive $0xFFFF  }
0x6d: {  	_ =	strace $0x9000004D  }
0x6e: {  	s0 =	stileid.u32;
	[bflag:$0x2] =	sbarrier.arrive $0xFFFF  }
0x6f: {  	p0 =	sne.s32 s0, $0x0;
	s0 =	rddreg [dreg:$0x2]  }
0x70: {  	s0 =	sadd.s32 @!p0 $0x100000, s0  }
0x71: {  	[sflag:s0] =	ssyncadd.tile.s32 @!p0 $0x1;
	_ =	shalt  }
.Lfunc_end2:
_tile_overlayer_lowered:
.L_overlay_start_2:
0x72: {  	(tag) =	ssettag $0x2  }
0x73: {  	s0 =	rddreg [dreg:$0x0];
	s2 =	stileid.u32  }
0x74: {  	s1 =	rddreg [dreg:$0x1];
	p0 =	sne.s32 s2, $0x0  }
0x75: {  	s3 =	rddreg [dreg:$0x2];
	[bflag:$0x3] =	sbarrier.arrive $0xFFFF;
	s2 =	simm.s32 @!p0 $0x1C03  }
0x76: {  	[timem:s3], [sflag:s2] =	dma.local @!p0 [hbm:s0], s1  }
0x77: {  	s0 =	simm.s32 @!p0 $0x3  }
0x78: {  	_ =	swait.ge @!p0 [sflag:s0], s1  }
0x79: {  	s1 =	ssub.s32 @!p0 $0x0, s1;
	[sflag:s0] =	ssyncset.done @!p0 $0x0  }
0x7a: {  	[sflag:s0] =	ssyncadd.s32 @!p0 s1  }
0x7b: {  	[bflag:$0x3] =	sbarrier.arrive $0xFFFF  }
0x7c: {  	_ =	shalt  }

// kernel: kernel.8.cloned.1.call-start
scs
__scs_entry_jumppad:
0x0: {  	(pc) =	sbr.rel $0x88, $3  }
0x1: {  	(tag) =	ssettag $0x0;
	lr =	simm.s32 $0x1  }
0x2: {  	[smem:$0x3F9B] =	sst lr;
	_ =	strace $0xD0000000  }
0x3: {  	_ = 	snop  }
0x4: {  	_ = 	snop  }
0x5: {  	_ = 	snop  }
0x6: {  	_ = 	snop  }
0x7: {  	_ = 	snop  }
__scs_overlays_trampoline_lowered:
0x8: {  	[smem:$0x3FAA] =	sst s0  }
0x9: {  	[smem:$0x3FAB] =	sst s1  }
0xa: {  	[smem:$0x3FAC] =	sst s2  }
0xb: {  	[smem:$0x3FAD] =	sst s3  }
0xc: {  	[smem:$0x3FAE] =	sst s4  }
0xd: {  	[smem:$0x3FAF] =	sst s5  }
0xe: {  	[smem:$0x3FB0] =	sst s6  }
0xf: {  	[smem:$0x3FB1] =	sst s7  }
0x10: {  	[smem:$0x3FB2] =	sst s8  }
0x11: {  	[smem:$0x3FB3] =	sst s9;
	s0 =	simm.s32 @!p0 $0x0  }
0x12: {  	s1 =	sld [smem:$0x3F99];
	s0 =	simm.s32 @p0 $0x1  }
0x13: {  	[smem:$0x3FB4] =	sst s0;
	s0 =	simm.s32 @!p1 $0x0  }
0x14: {  	s2 =	sld [smem:$0x3F98];
	s0 =	simm.s32 @p1 $0x1  }
0x15: {  	[smem:$0x3FB5] =	sst s0;
	s0 =	simm.s32 @!p2 $0x0  }
0x16: {  	s3 =	sld [smem:$0x3FDB];
	s0 =	simm.s32 @p2 $0x1  }
0x17: {  	s4 =	simm.s32 $0x1BF5;
	[smem:$0x3FB7] =	sst s0  }
0x18: {  	s0 =	sld [smem:$0x3F9A];
	_ =	swait.ge [sflag:s4], $0x0  }
0x19: {  	s7 =	sld [smem:$0x3F9B]  }
0x1a: {  	s8 =	sadd.s32 $0xFFFFE003, lr  }
0x1b: {  	s9 =	sadd.s32 $0xFFFFFEF7, lr;
	s5 =	simm.s32 $0xFFFFFFFF;
	p2 =	slt.u32 s8, $0xFFFFF086  }
0x1c: {  	p1 =	slt.u32 s9, $0xF7A;
	s5 =	simm.s32 @!p2 $0x0  }
0x1d: {  	s5 =	simm.s32 @p1 $0x1;
	p0 =	seq.s32 s7, s2  }
0x1e: {  	s7 =	smul.u32 @!p0 $0xF7A, s2;
	p2 =	seq.s32 @!p0 s5, $0x0  }
0x1f: {  	s9 =	smul.u32 $0xF7A, s1;
	s8 =	simm.s32 @!p0 $0x1BF5;
	p2 =	por !p2, p0  }
0x20: {  	[sflag:s8] =	ssyncset.s32 @!p0 $0xFFFFF086;
	s6 =	sadd.s32 @!p0 s3, s7;
	s7 =	simm.s32 @!p0 $0x108  }
0x21: {  	s3 =	sadd.s32 s3, s9;
	s6 =	sadd.s32 @!p0 $0x88, s6;
	s7 =	simm.s32 @p2 $0x1082  }
0x22: {  	[simem:s7], [sflag:s8] =	dma.local @!p0 [hbm:s6], $0xF7A  }
0x23: {  	s9 =	sor.u32 $0xD0000000, s2;
	s6 =	simm.s32 $0x108;
	_ =	swait.ge @!p0 [sflag:s8], $0x0  }
0x24: {  	s3 =	sadd.s32 $0x88, s3;
	s6 =	simm.s32 @!p1 $0x1082;
	[sflag:s4] =	ssyncset.s32 $0xFFFFF086  }
0x25: {  	[simem:s6], [sflag:s4] =	dma.local [hbm:s3], $0xF7A  }
0x26: {  	[smem:$0x3F9B] =	sst s1;
	(tag) =	ssettag s2;
	_ =	strace s9  }
0x27: {  	s1 =	sld [smem:$0x3FAB]  }
0x28: {  	s2 =	sld [smem:$0x3FAC]  }
0x29: {  	s4 =	sld [smem:$0x3FAE]  }
0x2a: {  	p0 =	seq.s32 s5, $0x0;
	s5 =	sld [smem:$0x3FAF]  }
0x2b: {  	s6 =	sld [smem:$0x3FB0]  }
0x2c: {  	s7 =	sld [smem:$0x3FB1]  }
0x2d: {  	s3 =	simm.s32 $0x108;
	s8 =	sld [smem:$0x3FB2]  }
0x2e: {  	s3 =	simm.s32 @!p0 $0x1082;
	s9 =	sld [smem:$0x3FB3]  }
0x2f: {  	lr =	sadd.s32 s0, s3;
	s0 =	sld [smem:$0x3FAA]  }
0x30: {  	s3 =	sld [smem:$0x3FAD]  }
0x31: {  	[smem:$0x3FB6] =	sst s10  }
0x32: {  	s10 =	sld [smem:$0x3FB4];
	_ =	sdelay $0x3  }
0x33: {  	p0 =	seq.s32 s10, $0x1;
	s10 =	sld [smem:$0x3FB6];
	_ =	sdelay $0x3  }
0x34: {  	[smem:$0x3FB6] =	sst s10  }
0x35: {  	s10 =	sld [smem:$0x3FB5];
	_ =	sdelay $0x3  }
0x36: {  	p1 =	seq.s32 s10, $0x1;
	s10 =	sld [smem:$0x3FB6];
	_ =	sdelay $0x3  }
0x37: {  	[smem:$0x3FB6] =	sst s10  }
0x38: {  	s10 =	sld [smem:$0x3FB7]  }
0x39: {  	_ = 	snop;
	(pc) =	sbr.ind lr, $3  }
0x3a: {  	_ = 	snop  }
0x3b: {  	_ = 	snop  }
0x3c: {  	p2 =	seq.s32 s10, $0x1;
	s10 =	sld [smem:$0x3FB6]  }
0x3d: {  	_ =	shalt  }
0x3e: {  	_ =	shalt  }
0x3f: {  	_ =	shalt  }
0x40: {  	_ =	shalt  }
0x41: {  	_ =	shalt  }
0x42: {  	_ =	shalt  }
0x43: {  	_ =	shalt  }
0x44: {  	_ =	shalt  }
0x45: {  	_ =	shalt  }
0x46: {  	_ =	shalt  }
0x47: {  	_ =	shalt  }
0x48: {  	_ =	shalt  }
0x49: {  	_ =	shalt  }
0x4a: {  	_ =	shalt  }
0x4b: {  	_ =	shalt  }
0x4c: {  	_ =	shalt  }
0x4d: {  	_ =	shalt  }
0x4e: {  	_ =	shalt  }
0x4f: {  	_ =	shalt  }
0x50: {  	_ =	shalt  }
0x51: {  	_ =	shalt  }
0x52: {  	_ =	shalt  }
0x53: {  	_ =	shalt  }
0x54: {  	_ =	shalt  }
0x55: {  	_ =	shalt  }
0x56: {  	_ =	shalt  }
0x57: {  	_ =	shalt  }
0x58: {  	_ =	shalt  }
0x59: {  	_ =	shalt  }
0x5a: {  	_ =	shalt  }
0x5b: {  	_ =	shalt  }
0x5c: {  	_ =	shalt  }
0x5d: {  	_ =	shalt  }
0x5e: {  	_ =	shalt  }
0x5f: {  	_ =	shalt  }
0x60: {  	_ =	shalt  }
0x61: {  	_ =	shalt  }
0x62: {  	_ =	shalt  }
0x63: {  	_ =	shalt  }
0x64: {  	_ =	shalt  }
0x65: {  	_ =	shalt  }
0x66: {  	_ =	shalt  }
0x67: {  	_ =	shalt  }
0x68: {  	_ =	shalt  }
0x69: {  	_ =	shalt  }
0x6a: {  	_ =	shalt  }
0x6b: {  	_ =	shalt  }
0x6c: {  	_ =	shalt  }
0x6d: {  	_ =	shalt  }
0x6e: {  	_ =	shalt  }
0x6f: {  	_ =	shalt  }
0x70: {  	_ =	shalt  }
0x71: {  	_ =	shalt  }
0x72: {  	_ =	shalt  }
0x73: {  	_ =	shalt  }
0x74: {  	_ =	shalt  }
0x75: {  	_ =	shalt  }
0x76: {  	_ =	shalt  }
0x77: {  	_ =	shalt  }
0x78: {  	_ =	shalt  }
0x79: {  	_ =	shalt  }
0x7a: {  	_ =	shalt  }
0x7b: {  	_ =	shalt  }
0x7c: {  	_ =	shalt  }
0x7d: {  	_ =	shalt  }
0x7e: {  	_ =	shalt  }
0x7f: {  	_ =	shalt  }
0x80: {  	_ =	shalt  }
0x81: {  	_ =	shalt  }
0x82: {  	_ =	shalt  }
0x83: {  	_ =	shalt  }
0x84: {  	_ =	shalt  }
0x85: {  	_ =	shalt  }
0x86: {  	_ =	shalt  }
0x87: {  	_ =	shalt  }
.Lfunc_end0:
.L_simem_size_0:
called_computation_lowered:
.L_overlay_start_0:
0x88: {  	s2 =	sld [smem:$0x3FD9]  }
0x89: {  	s3 =	sld [smem:$0x3FFE];
	_ =	sdelay $0x1  }
0x8a: {  	s1 =	srdreg.scid  }
0x8b: {  	s0 =	sand.u32 $0x1, s1  }
0x8c: {  	s16 =	sshll.u32 s0, $0xA;
	s2 =	sadd.s32 s3, s2  }
0x8d: {  	s2 =	sadd.s32 s2, s16  }
0x8e: {  	[smem:$0x3FC2] =	sst s2  }
0x8f: {  	_ = 	snop  }
0x90: {  	(tm) =	ssettm $0x1  }
0x91: {  	s17 =	sld [smem:$0x3FFB];
	_ =	sdelay $0x3  }
0x92: {  	_ =	strace s17  }
0x93: {  	s2 =	sld [smem:$0x3FFC];
	_ =	sdelay $0x3  }
0x94: {  	_ =	strace s2  }
0x95: {  	s2 =	sld [smem:$0x3FFD];
	_ =	sdelay $0x3  }
0x96: {  	_ =	strace s2  }
0x97: {  	_ =	strace $0x8FFFFFFF  }
0x98: {  	s18 =	sld [smem:$0x3FDB];
	_ =	sdelay $0x1  }
0x99: {  	s19 =	simm.s32 $_scs_section_size  }
0x9a: {  	s4 =	simm.s32 $_size__tile_overlayer_lowered;
	s5 =	simm.s32 $_tile_overlayer_lowered  }
0x9b: {  	s22 =	simm.s32 $0x1BFF;
	s21 =	sshll.u32 s5, $0x1;
	s2 =	sadd.s32 s19, s18  }
0x9c: {  	s6 =	simm.s32 $0x0;
	s20 =	sshll.u32 s4, $0x1;
	s4 =	sadd.s32 s21, s2  }
0x9d: {  	[timem:s6], [sflag:s22] =	dma.local [hbm:s4], s20  }
0x9e: {  	_ =	swait.ge [sflag:s22], s20  }
0x9f: {  	s3 =	ssub.s32 $0x0, s20;
	[sflag:s22] =	ssyncset.done $0x0  }
0xa0: {  	[sflag:s22] =	ssyncadd.s32 s3;
	_ =	sdelay $0x1  }
0xa1: {  	s23 =	simm.s32 $0x1B8B  }
0xa2: {  	_ =	swait.ge [sflag:s23], $0x1  }
0xa3: {  	[sflag:s23] =	ssyncset.done $0x0  }
0xa4: {  	s25 =	simm.s32 $0x1B8E;
	s24 =	sld [smem:$0x3FFE];
	[sflag:s23] =	ssyncadd.s32 $0xFFFFFFFF  }
0xa5: {  	s26 =	simm.s32 $execute0_lowered;
	[smem:$0x3FD2] =	sst s25  }
0xa6: {  	s4 =	sshll.u32 s26, $0x1;
	_ =	strace $0x80000046;
	[dreg:$0x1] =	wrdreg $0xFFFFFFFF  }
0xa7: {  	s28 =	simm.s32 $_size_execute0_lowered;
	s2 =	sadd.s32 s2, s4;
	[dreg:$0x0] =	wrdreg $0x0  }
0xa8: {  	s4 =	sshll.u32 s28, $0x1;
	[dreg:$0x2] =	wrdreg s2  }
0xa9: {  	[dreg:$0x3] =	wrdreg s4  }
0xaa: {  	[dreg:$0x4] =	wrdreg $0xC0  }
0xab: {  	_ =	task [dreg:s6], $0x5FFFF  }
0xac: {  	[dreg:$0x1] =	wrdreg $0xFFFFFFFF  }
0xad: {  	[dreg:$0x0] =	wrdreg $0x60  }
0xae: {  	[dreg:$0x2] =	wrdreg s24  }
0xaf: {  	[dreg:$0x3] =	wrdreg $0x57100  }
0xb0: {  	[dreg:$0x4] =	wrdreg $0x9  }
0xb1: {  	_ =	task.clear_ibuf [dreg:s6], $0x5FFFF;
	_ =	strace $0x90000046  }
0xb2: {  	s29 =	simm.s32 $0x9;
	_ =	strace $0x80000048  }
0xb3: {  	_ =	swait.ge [sflag:s29], $0x1  }
0xb4: {  	[sflag:s29] =	ssyncadd.s32 $0xFFFFFFFF  }
0xb5: {  	_ =	strace $0x90000048  }
0xb6: {  	_ =	sfence  }
0xb7: {  	s30 =	sld [smem:$0x0];
	_ =	sdelay $0x2  }
0xb8: {  	s31 =	sshll.u32 s1, $0xD;
	s1 =	sshrl.u32 s1, $0x2  }
0xb9: {  	s3 =	sand.u32 $0x4000, s31;
	s1 =	sadd.s32 s1, s30  }
0xba: {  	s0 =	sor.u32 s3, s0;
	s1 =	sshll.u32 s1, $0x11  }
0xbb: {  	s0 =	sor.u32 s1, s0  }
0xbc: {  	s0 =	sadd.s32 $0x8F2B, s0  }
0xbd: {  	[sflag:s0] =	ssyncadd.remote.s32 $0x1  }
0xbe: {  	_ =	sfence.sel $0xFFFF  }
0xbf: {  	[dreg:$0x0] =	wrdreg $0xFFFFFFFF;
	(pc) =	sbr.abs _section_cstart, $3  }
0xc0: {  	[dreg:$0x1] =	wrdreg $0xFFFFFFFF  }
0xc1: {  	_ =	task.clear_ibuf [dreg:s6], $0x2FFFF;
	_ =	strace $0x9FFFFFFF  }
0xc2: {  	(tm) =	ssettm $0x7FFFFFFF  }
0xc3: {  	_ =	shalt  }
tec
execute0_lowered:
.L_overlay_start_1:
0x0: {  	(tag) =	ssettag $0x1  }
0x1: {  	s1 =	srdreg.scid  }
0x2: {  	s0 =	stileid.u32;
	s5 =	rddreg [dreg:$0x0]  }
0x3: {  	s2 =	rddreg [dreg:$0x1];
	s3 =	simm.s32 $0x0;
	s10 =	simm.s32 $0x80  }
0x4: {  	s11 =	simm.s32 $0x2800;
	s12 =	simm.s32 $0x1;
	s8 =	smul.u32 $0x2710, s0  }
0x5: {  	s4 =	sand.u32 $0x1, s1;
	s30 =	sshll.u32 s0, $0x1;
	s9 =	smul.u32 $0x9C40, s0  }
0x6: {  	s13 =	simm.s32 $0x0;
	s1 =	sor.u32 s4, s30;
	s7 =	smul.u32 $0x27100, s4  }
0x7: {  	[smem:$0x7FF] =	sst s3;
	s4 =	ssub.s32 $0x2, s4;
	s6 =	smul.u32 $0x500, s1  }
0x8: {  	s1 =	rddreg [dreg:$0x2];
	_ =	strace $0x80000047;
	s31 =	sshrl.u32 s4, $0x1  }
0x9: {  	s9 =	sshrl.u32 s9, $0x2;
	s7 =	sadd.s32 s8, s7;
	s8 =	ssub.s32 s4, s31  }
0xa: {  	s4 =	sadd.s32 s9, s2;
	s6 =	sadd.s32 s6, s5;
	s7 =	sshrl.u32 s7, $0x3  }
0xb: {  	s9 =	simm.s32 $0x2;
	s7 =	sadd.s32 s7, s5;
	s5 =	sadd.s32 $0x1400, s6  }
0xc: {  	v0 =	vimm.f32 $0.0e+00;
	v1 =	vimm.f32 $1.000000000e+00;
	s6 =	sadd.s32 $0x15400, s7;
	s7 =	smax.u32 s8, $0x1;
	s8 =	simm.s32 $0x3000  }
.LBB2_1:
0xd: {  	s14 =	simm.s32 $0x40;
	s15 =	simm.s32 $0x0  }
.LBB2_2:
0xe: {  	p0 =	sne.s32 s14, $0x9C00;
	[tilespmem:s15+$0x3000] =	vst v0;
	s15 =	smov.u32 s14;
	s14 =	sadd.s32 $0x40, s14  }
.Ltmp0:
0xf: {  	(pc) =	sbr.rel @p0 .LBB2_2-.Ltmp0, $2  }
0x10: {  	_ =	sdelay $0x2  }
0x11: {  	s15 =	sshra.s32 s15, $0x2  }
0x12: {  	[tilespmem:s15+$0x3000] =	vst v0  }
0x13: {  	[spmem:s4] =	stream.linear.scatter [tilespmem:s8], [sflag:$0x2], $0x2710, $0x38;
	[tilespmem:$0x8020] =	vst v63  }
0x14: {  	_ =	swait.ge [sflag:s9], $0x2710  }
0x15: {  	[sflag:s9] =	ssyncset.done $0x0  }
0x16: {  	[sflag:s9] =	ssyncadd.s32 $0xFFFFD8F0  }
0x17: {  	s14 =	simm.s32 $0x0;
	[bflag:$0x0] =	sbarrier.arrive $0xFFFF  }
0x18: {  	[tilespmem:s14], [sflag:$0x2] =	stream.linear.gather [hbm4b:s5+s14], $0x2800, $0x38;
	[tilespmem:$0x8020] =	vst v63  }
0x19: {  	_ =	swait.ge [sflag:s9], $0x2800  }
0x1a: {  	[sflag:s9] =	ssyncset.done $0x0  }
0x1b: {  	s15 =	simm.s32 $0x40;
	s16 =	simm.s32 $0x0;
	[sflag:s9] =	ssyncadd.s32 $0xFFFFD800  }
.LBB2_4:
0x1c: {  	p0 =	sne.s32 s15, $0x1FC0;
	[tilespmem:s16+$0x2800] =	vst v1;
	s16 =	smov.u32 s15;
	s15 =	sadd.s32 $0x40, s15  }
.Ltmp1:
0x1d: {  	(pc) =	sbr.rel @p0 .LBB2_4-.Ltmp1, $2  }
0x1e: {  	_ =	sdelay $0x2  }
0x1f: {  	s16 =	sshra.s32 s16, $0x2  }
0x20: {  	[tilespmem:s16+$0x2800] =	vst v1;
	p0 =	por $0x1, $0x1  }
0x21: {  	[spmem:s2] =	stream.indirect.scatter.add.f32 [tilespmem:s11], [sflag:$0x1], $0x10, s14, s10, $0xb8;
	[tilespmem:$0x8020] =	vst v63  }
0x22: {  	s16 =	simm.s32 @!p0 $0x1  }
0x23: {  	_ =	swait.ge @!p0 [sflag:s16], $0x800  }
0x24: {  	s15 =	simm.s32 $0x1;
	[sflag:s16] =	ssyncset.done @!p0 $0x0  }
.LBB2_6:
0x25: {  	[sflag:s16] =	ssyncadd.s32 @!p0 $0xFFFFF800  }
0x26: {  	s14 =	sadd.s32 $0x80, s14;
	s16 =	smov.u32 s15;
	s15 =	sadd.s32 $0x1, s15  }
0x27: {  	p1 =	sne.s32 s15, $0x50  }
0x28: {  	[spmem:s2] =	stream.indirect.scatter.add.f32 [tilespmem:s11], [sflag:$0x1], $0x10, s14, s10, $0xb8;
	[tilespmem:$0x8020] =	vst v63  }
.Ltmp2:
0x29: {  	_ = 	snop;
	(pc) =	sbr.rel @p1 .LBB2_6-.Ltmp2, $4  }
0x2a: {  	p0 =	slt.u32 s16, $0x8  }
0x2b: {  	s16 =	simm.s32 @!p0 $0x1  }
0x2c: {  	_ =	swait.ge @!p0 [sflag:s16], $0x800  }
0x2d: {  	[sflag:s16] =	ssyncset.done @!p0 $0x0  }
0x2e: {  	[sflag:s16] =	ssyncadd.s32 @!p0 $0xFFFFF800  }
0x2f: {  	_ =	swait.ge [sflag:s12], $0x800  }
0x30: {  	[sflag:s12] =	ssyncset.done $0x0  }
0x31: {  	[sflag:s12] =	ssyncadd.s32 $0xFFFFF800  }
0x32: {  	_ =	swait.ge [sflag:s12], $0x800  }
0x33: {  	[sflag:s12] =	ssyncset.done $0x0  }
0x34: {  	[sflag:s12] =	ssyncadd.s32 $0xFFFFF800  }
0x35: {  	_ =	swait.ge [sflag:s12], $0x800  }
0x36: {  	[sflag:s12] =	ssyncset.done $0x0  }
0x37: {  	[sflag:s12] =	ssyncadd.s32 $0xFFFFF800  }
0x38: {  	_ =	swait.ge [sflag:s12], $0x800  }
0x39: {  	[sflag:s12] =	ssyncset.done $0x0  }
0x3a: {  	[sflag:s12] =	ssyncadd.s32 $0xFFFFF800  }
0x3b: {  	_ =	swait.ge [sflag:s12], $0x800  }
0x3c: {  	[sflag:s12] =	ssyncset.done $0x0  }
0x3d: {  	[sflag:s12] =	ssyncadd.s32 $0xFFFFF800  }
0x3e: {  	_ =	swait.ge [sflag:s12], $0x800  }
0x3f: {  	[sflag:s12] =	ssyncset.done $0x0  }
0x40: {  	[sflag:s12] =	ssyncadd.s32 $0xFFFFF800  }
0x41: {  	_ =	swait.ge [sflag:s12], $0x800  }
0x42: {  	[sflag:s12] =	ssyncset.done $0x0  }
0x43: {  	[sflag:s12] =	ssyncadd.s32 $0xFFFFF800  }
0x44: {  	_ =	swait.ge [sflag:s12], $0x800  }
0x45: {  	[sflag:s12] =	ssyncset.done $0x0  }
0x46: {  	[sflag:s12] =	ssyncadd.s32 $0xFFFFF800  }
0x47: {  	[bflag:$0x0] =	sbarrier.arrive $0xFFFF  }
0x48: {  	[tilespmem:s8], [sflag:$0x2] =	stream.linear.gather [spmem:s4], $0x2710, $0x38;
	[tilespmem:$0x8020] =	vst v63  }
0x49: {  	s13 =	sadd.s32 $0x1, s13;
	_ =	swait.ge [sflag:s9], $0x2710  }
0x4a: {  	p0 =	sne.s32 s13, s7;
	[sflag:s9] =	ssyncset.done $0x0  }
.Ltmp3:
0x4b: {  	[sflag:s9] =	ssyncadd.s32 $0xFFFFD8F0;
	(pc) =	sbr.rel @p0 .LBB2_1-.Ltmp3, $4  }
0x4c: {  	[hbm4b:s6+s3] =	stream.linear.scatter [tilespmem:s8], [sflag:$0x2], $0x2710, $0x38;
	[tilespmem:$0x8020] =	vst v63  }
0x4d: {  	_ =	swait.ge [sflag:s9], $0x2710  }
0x4e: {  	[sflag:s9] =	ssyncset.done $0x0  }
0x4f: {  	[sflag:s9] =	ssyncadd.s32 $0xFFFFD8F0  }
0x50: {  	_ =	sfence.sel $0x180000  }
0x51: {  	[bflag:$0x0] =	sbarrier.arrive $0xFFFF  }
0x52: {  	p0 =	sne.s32 s0, $0x0;
	_ =	strace $0x90000047  }
0x53: {  	s0 =	sadd.s32 @!p0 $0x100000, s1;
	[bflag:$0x2] =	sbarrier.arrive $0xFFFF  }
0x54: {  	[sflag:s0] =	ssyncadd.tile.s32 @!p0 $0x1;
	_ =	shalt  }
.Lfunc_end2:
_tile_overlayer_lowered:
.L_overlay_start_2:
0x55: {  	(tag) =	ssettag $0x2  }
0x56: {  	s0 =	rddreg [dreg:$0x0];
	s2 =	stileid.u32  }
0x57: {  	s1 =	rddreg [dreg:$0x1];
	p0 =	sne.s32 s2, $0x0  }
0x58: {  	s3 =	rddreg [dreg:$0x2];
	[bflag:$0x3] =	sbarrier.arrive $0xFFFF;
	s2 =	simm.s32 @!p0 $0x1C02  }
0x59: {  	[timem:s3], [sflag:s2] =	dma.local @!p0 [hbm:s0], s1  }
0x5a: {  	s0 =	simm.s32 @!p0 $0x2  }
0x5b: {  	_ =	swait.ge @!p0 [sflag:s0], s1  }
0x5c: {  	s1 =	ssub.s32 @!p0 $0x0, s1;
	[sflag:s0] =	ssyncset.done @!p0 $0x0  }
0x5d: {  	[sflag:s0] =	ssyncadd.s32 @!p0 s1  }
0x5e: {  	[bflag:$0x3] =	sbarrier.arrive $0xFFFF  }
0x5f: {  	_ =	shalt  }

</sc_bundles>
